<compile_context>
chip_gen: v7x
topology: tpu7x:2x2x1
jax: 0.10.2.dev20260603
libtpu: 0.0.44.dev20260713+nightly
codegen_flags: <defaults>
</compile_context>

<pallas_src>
import functools

import jax
import jax.numpy as jnp
import numpy as np
from jax import lax
from jax.experimental import pallas as pl
from jax.experimental.pallas import tpu as pltpu
from jax.experimental.pallas import tpu_sc as plsc

VOCAB = 50257
NH = 2
EPS = 1e-6
TWO_PI = np.float32(2.0 * np.pi)

_NC = 2
_NS = 16
_NW = _NC * _NS

_VROWS = 512
_VP = _VROWS * 128
_VROWS_PER_S = _VROWS // _NS

_PROWS = 256
_PROWS_PER_W = _PROWS // _NW

_HEAD = 16


def _decode_block(emb_ref, pinv_ref, logv_ref, out_ref):
    x = emb_ref[...].reshape(-1, emb_ref.shape[2])
    w = pinv_ref[...]
    sincos = jnp.dot(x, w, preferred_element_type=jnp.float32)
    sin_part = sincos[:, :NH]
    cos_part = sincos[:, NH:]
    phase = jnp.arctan2(sin_part, cos_part)
    n = x.shape[0]
    pos = (lax.broadcasted_iota(jnp.int32, (n, 1), 0) % _HEAD).astype(jnp.float32)
    posc = jnp.maximum(pos, jnp.float32(EPS))
    f1 = phase[:, 0:1] / (TWO_PI * posc)
    f2 = phase[:, 1:2] / ((TWO_PI * np.float32(2.0)) * posc)
    freq_norm = (f1 + f2) * jnp.float32(1.0 / NH)
    freq_norm = jnp.clip(freq_norm, jnp.float32(0.0), jnp.float32(1.0))
    log_v = logv_ref[0]
    rank_est = jnp.exp(freq_norm * log_v)
    idx = jnp.ceil(rank_est - jnp.float32(1.0)).astype(jnp.int32)
    idx = jnp.clip(idx, 1, VOCAB - 1)
    kf = idx.astype(jnp.float32)
    dist_lower = jnp.abs(rank_est - kf)
    dist_upper = jnp.abs((kf + jnp.float32(1.0)) - rank_est)
    chosen = jnp.where(dist_upper < dist_lower, idx, idx - 1)
    out_ref[...] = chosen


def _decode_tc(embeddings, proj_pinv, log_v):
    b, _, d = embeddings.shape
    n = b * _HEAD
    return pl.pallas_call(
        _decode_block,
        grid=(1,),
        in_specs=[
            pl.BlockSpec((b, _HEAD, d), lambda i: (0, 0, 0)),
            pl.BlockSpec((proj_pinv.shape[0], 2 * NH), lambda i: (0, 0)),
            pl.BlockSpec(memory_space=pltpu.SMEM),
        ],
        out_specs=pl.BlockSpec((n, 1), lambda i: (0, 0)),
        out_shape=jax.ShapeDtypeStruct((n, 1), jnp.int32),
    )(embeddings, proj_pinv, log_v)


def _sc_body(rank_hbm, c_hbm, out_hbm, rank_v, idx_v, val_v, tok_v, c16_v,
             tok16_v, t16_v, inv_sh, sem):
    cid = lax.axis_index("c")
    sid = lax.axis_index("s")
    wid = sid * _NC + cid

    r0 = sid * _VROWS_PER_S
    pltpu.sync_copy(rank_hbm.at[pl.ds(r0, _VROWS_PER_S)], rank_v)

    def conv_row(j, _):
        base = (r0 + j) * 128
        for k in range(8):
            r16 = rank_v[j, pl.ds(k * 16, 16)]
            idx_v[j, pl.ds(k * 16, 16)] = r16.astype(jnp.int32) - 1
            val_v[j, pl.ds(k * 16, 16)] = lax.iota(jnp.int32, 16) + (
                base + k * 16
            )
        return 0

    lax.fori_loop(0, _VROWS_PER_S, conv_row, 0)

    handles = [
        pltpu.async_copy(val_v.at[j], inv_sh.at[idx_v.at[j]], sem)
        for j in range(_VROWS_PER_S)
    ]
    for h in handles:
        h.wait()

    plsc.subcore_barrier()

    p0 = wid * _PROWS_PER_W
    pltpu.sync_copy(inv_sh.at[pl.ds(0, 16)], t16_v)
    tok0 = t16_v[pl.ds(0, 16)][0]

    def splat_row(j, _):
        for k in range(8):
            tok_v[j, pl.ds(k * 16, 16)] = jnp.full((16,), tok0, jnp.int32)
        return 0

    lax.fori_loop(0, _PROWS_PER_W, splat_row, 0)

    seq = wid // 8

    @pl.when(wid % 8 == 0)
    def _():
        pltpu.sync_copy(c_hbm.at[pl.ds(seq * _HEAD, _HEAD)], c16_v)
        pltpu.async_copy(inv_sh.at[c16_v], tok16_v, sem).wait()
        tok_v[0, pl.ds(0, _HEAD)] = tok16_v[...]

    pltpu.sync_copy(tok_v, out_hbm.at[pl.ds(p0, _PROWS_PER_W)])


@functools.lru_cache(maxsize=None)
def _decode_sc():
    return pl.kernel(
        _sc_body,
        out_type=jax.ShapeDtypeStruct((_PROWS, 128), jnp.int32),
        mesh=plsc.VectorSubcoreMesh(core_axis_name="c", subcore_axis_name="s"),
        scratch_types=[
            pltpu.VMEM((_VROWS_PER_S, 128), jnp.float32),
            pltpu.VMEM((_VROWS_PER_S, 128), jnp.int32),
            pltpu.VMEM((_VROWS_PER_S, 128), jnp.int32),
            pltpu.VMEM((_PROWS_PER_W, 128), jnp.int32),
            pltpu.VMEM((_HEAD,), jnp.int32),
            pltpu.VMEM((_HEAD,), jnp.int32),
            pltpu.VMEM((16,), jnp.int32),
            pltpu.VMEM_SHARED((_VP,), jnp.int32),
            pltpu.SemaphoreType.DMA,
        ],
    )


def kernel(embeddings, rank_table, proj_weight):
    gram = proj_weight @ proj_weight.T
    proj_pinv = jnp.linalg.solve(gram, proj_weight).T
    log_v = jnp.log(jnp.asarray(float(VOCAB), dtype=jnp.float32)).reshape(1)

    b, seq_t, d = embeddings.shape

    c_head = _decode_tc(embeddings, proj_pinv, log_v).reshape(b * _HEAD)

    pad = jnp.arange(VOCAB + 1, _VP + 1, dtype=jnp.float32)
    rank_p = jnp.concatenate([rank_table, pad]).reshape(_VROWS, 128)
    tok = _decode_sc()(rank_p, c_head)
    return tok.reshape(b, seq_t)

# --- scband reference (transcript-rebuilt; emitter-appended) ---
"""Pipeline reference for scband-streaming-zipf-wave-decoder-4879082848996 (READ-ONLY COPY).

The authoritative reference and input builder live on the scoring server;
editing this copy changes nothing except your own understanding.
"""

import jax, jax.numpy as jnp
import numpy as np

VOCAB = 50257
NH = 2
FREQ_MIN = 0.0
FREQ_MAX = 1.0
EPS = 1e-6


def setup_inputs(seed: int = 0) -> dict:
    key = jax.random.key(seed)
    k1, k2, k3 = jax.random.split(key, 3)
    embeddings = jax.random.normal(k1, (4, 8192, 768), dtype=jnp.float32)
    rank_table = jax.random.permutation(k2, jnp.arange(1, VOCAB + 1, dtype=jnp.float32))
    proj_weight = jax.random.normal(k3, (2 * NH, 768), dtype=jnp.float32)
    return {"embeddings": embeddings, "rank_table": rank_table, "proj_weight": proj_weight}


def _decode_sequence(emb, pos, proj_pinv, sorted_ranks, sorted_token_ids, harmonics):
    # emb: [T, D]; proj_pinv: [D, 2*NH]
    sincos = emb @ proj_pinv
    sin_part = sincos[:, :NH]
    cos_part = sincos[:, NH:]
    # estimate normalized frequency per position from phase
    phase = jnp.arctan2(sin_part, cos_part)
    posc = jnp.clip(pos, EPS, None)[:, None]
    freq_est = phase / (2.0 * jnp.pi * harmonics[None, :] * posc)
    freq_norm = freq_est.mean(axis=-1)
    # freq -> rank
    freq_norm = jnp.clip(freq_norm, FREQ_MIN, FREQ_MAX)
    span = FREQ_MAX - FREQ_MIN
    norm01 = (freq_norm - FREQ_MIN) / span
    log_v = jnp.log(jnp.asarray(float(VOCAB), dtype=jnp.float32))
    rank_est = jnp.exp(norm01 * log_v)
    # rank -> nearest token id via searchsorted on sorted ranks
    idx = jnp.searchsorted(sorted_ranks, rank_est)
    idx_clamped = jnp.clip(idx, 1, sorted_ranks.shape[0] - 1)
    lower_idx = idx_clamped - 1
    upper_idx = idx_clamped
    lower_rank = sorted_ranks[lower_idx]
    upper_rank = sorted_ranks[upper_idx]
    dist_lower = jnp.abs(rank_est - lower_rank)
    dist_upper = jnp.abs(upper_rank - rank_est)
    choose_upper = dist_upper < dist_lower
    chosen_idx = jnp.where(choose_upper, upper_idx, lower_idx)
    token_ids = sorted_token_ids[chosen_idx]
    return token_ids


def reference(embeddings, rank_table, proj_weight):
    # buffers computed in __init__ of the torch module
    sorted_token_ids = jnp.argsort(rank_table)
    sorted_ranks = rank_table[sorted_token_ids]
    gram = proj_weight @ proj_weight.T
    proj_pinv = jnp.linalg.solve(gram, proj_weight).T  # [D, 2*NH]
    harmonics = jnp.arange(1, NH + 1, dtype=jnp.float32)
    T = embeddings.shape[-2]
    pos = jnp.arange(T, dtype=jnp.float32)
    if embeddings.ndim == 2:
        return _decode_sequence(embeddings, pos, proj_pinv, sorted_ranks, sorted_token_ids, harmonics)
    dec = lambda e: _decode_sequence(e, pos, proj_pinv, sorted_ranks, sorted_token_ids, harmonics)
    return jax.vmap(dec)(embeddings)

if __name__ == "__main__":
    import jax
    _d = setup_inputs()
    print(jax.jit(kernel)(*tuple(_d.values())))

</pallas_src>

<mosaic_0001>
#map = affine_map<(d0, d1) -> (0, 0)>
#map1 = affine_map<(d0, d1) -> (0)>
module attributes {stable_mosaic.version = 14 : i64} {
  func.func @_sc_body(%arg0: i32, %arg1: i32, %arg2: memref<512x128xf32, #tpu.memory_space<hbm>>, %arg3: memref<64xi32, #tpu.memory_space<hbm>>, %arg4: memref<256x128xi32, #tpu.memory_space<hbm>>, %arg5: memref<32x128xf32, #tpu.memory_space<vmem>>, %arg6: memref<32x128xi32, #tpu.memory_space<vmem>>, %arg7: memref<32x128xi32, #tpu.memory_space<vmem>>, %arg8: memref<8x128xi32, #tpu.memory_space<vmem>>, %arg9: memref<16xi32, #tpu.memory_space<vmem>>, %arg10: memref<16xi32, #tpu.memory_space<vmem>>, %arg11: memref<16xi32, #tpu.memory_space<vmem>>, %arg12: memref<65536xi32, #tpu.memory_space<vmem_shared>>, %arg13: memref<!tpu.dma_semaphore, #tpu.memory_space<semaphore_mem>>) attributes {dimension_semantics = [#tpu.dimension_semantics<core_parallel>, #tpu.dimension_semantics<subcore_parallel>], iteration_bounds = array<i64: 2, 16>, scalar_prefetch = 0 : i64, scratch_operands = 9 : i64, tpu.core_type = #tpu.core_type<sc_vector_subcore>, window_params = [{transform_indices = #map}, {transform_indices = #map1}, {transform_indices = #map}]} {
    %mul3A = arith.constant 2 : i32
    %mul3A_0 = arith.muli %arg1, %mul3A : i32
    %add3A = arith.addi %mul3A_0, %arg0 : i32
    %mul3A_1 = arith.constant 32 : i32
    %mul3A_2 = arith.muli %arg1, %mul3A_1 : i32
    "tpu.region"() ({
      %run_scoped3A = tpu.sem_alloc : memref<!tpu.dma_semaphore, #tpu.memory_space<semaphore_mem>>
      %dma_start3A_691 = arith.constant 0 : i32
      %dma_start3A_692 = tpu.memref_slice %arg2[%mul3A_2, %dma_start3A_691] : memref<512x128xf32, #tpu.memory_space<hbm>> -> memref<32x128xf32, #tpu.memory_space<hbm>>
      %dma_start3A_693 = arith.constant 0 : i32
      %dma_start3A_694 = tpu.memref_slice %arg2[%mul3A_2, %dma_start3A_693] : memref<512x128xf32, #tpu.memory_space<hbm>> -> memref<32x128xf32, #tpu.memory_space<hbm>>
      tpu.enqueue_dma source(%dma_start3A_694 : memref<32x128xf32, #tpu.memory_space<hbm>>) target(%arg5 : memref<32x128xf32, #tpu.memory_space<vmem>>) target_semaphore(%run_scoped3A : memref<!tpu.dma_semaphore, #tpu.memory_space<semaphore_mem>>)
      %dma_wait3A_695 = arith.constant 0 : i32
      %dma_wait3A_696 = tpu.memref_slice %arg2[%mul3A_2, %dma_wait3A_695] : memref<512x128xf32, #tpu.memory_space<hbm>> -> memref<32x128xf32, #tpu.memory_space<hbm>>
      %dma_wait3A_697 = arith.constant 0 : i32
      %dma_wait3A_698 = tpu.memref_slice %arg2[%mul3A_2, %dma_wait3A_697] : memref<512x128xf32, #tpu.memory_space<hbm>> -> memref<32x128xf32, #tpu.memory_space<hbm>>
      tpu.wait_dma2 semaphore(%run_scoped3A : memref<!tpu.dma_semaphore, #tpu.memory_space<semaphore_mem>>) src(%dma_wait3A_698 : memref<32x128xf32, #tpu.memory_space<hbm>>) dst(%arg5 : memref<32x128xf32, #tpu.memory_space<vmem>>)
      tpu.yield
    }) : () -> ()
    %scan3A = arith.constant 0 : i32
    %scan3A_3 = arith.constant 0 : i32
    %scan3A_4 = arith.constant 32 : i32
    %scan3A_5 = arith.addi %scan3A_3, %scan3A_4 : i32
    %scan3A_6 = arith.constant 1 : i32
    %scan3A_7 = scf.for %scan3A_691 = %scan3A_3 to %scan3A_5 step %scan3A_6 iter_args(%scan3A_692 = %scan3A) -> (i32)  : i32 {
      %add3A_693 = arith.addi %mul3A_2, %scan3A_691 : i32
      %mul3A_694 = arith.constant 128 : i32
      %mul3A_695 = arith.muli %add3A_693, %mul3A_694 : i32
      %get3A_696 = arith.index_cast %scan3A_691 : i32 to index
      %get3A_697 = arith.constant 0 : index
      %get3A_698 = tpu.vector_load %arg5[%get3A_696, %get3A_697] {strides = array<i32>} : memref<32x128xf32, #tpu.memory_space<vmem>>, vector<1x16xf32>,
      %get3A_699 = vector.shape_cast %get3A_698 : vector<1x16xf32> to vector<16xf32>
      %convert_element_type3A_700 = arith.fptosi %get3A_699 : vector<16xf32> to vector<16xi32>
      %sub3A_701 = arith.constant 1 : i32
      %sub3A_702 = vector.broadcast %sub3A_701 : i32 to vector<16xi32>
      %sub3A_703 = arith.subi %convert_element_type3A_700, %sub3A_702 : vector<16xi32>
      %swap3A = arith.index_cast %scan3A_691 : i32 to index
      %swap3A_704 = arith.constant 0 : index
      %swap3A_705 = tpu.vector_load %arg6[%swap3A, %swap3A_704] {strides = array<i32>} : memref<32x128xi32, #tpu.memory_space<vmem>>, vector<1x16xi32>,
      %swap3A_706 = vector.shape_cast %swap3A_705 : vector<1x16xi32> to vector<16xi32>
      %swap3A_707 = vector.shape_cast %sub3A_703 : vector<16xi32> to vector<1x16xi32>
      tpu.vector_store %arg6[%swap3A, %swap3A_704], %swap3A_707 {strides = array<i32>} : memref<32x128xi32, #tpu.memory_space<vmem>>, vector<1x16xi32>,
      %iota3A = tpu.iota {dimensions = array<i32: 0>} : vector<16xi32>
      %add3A_708 = arith.constant 0 : i32
      %add3A_709 = arith.addi %mul3A_695, %add3A_708 : i32
      %add3A_710 = vector.broadcast %add3A_709 : i32 to vector<16xi32>
      %add3A_711 = arith.addi %iota3A, %add3A_710 : vector<16xi32>
      %swap3A_712 = arith.index_cast %scan3A_691 : i32 to index
      %swap3A_713 = arith.constant 0 : index
      %swap3A_714 = tpu.vector_load %arg7[%swap3A_712, %swap3A_713] {strides = array<i32>} : memref<32x128xi32, #tpu.memory_space<vmem>>, vector<1x16xi32>,
      %swap3A_715 = vector.shape_cast %swap3A_714 : vector<1x16xi32> to vector<16xi32>
      %swap3A_716 = vector.shape_cast %add3A_711 : vector<16xi32> to vector<1x16xi32>
      tpu.vector_store %arg7[%swap3A_712, %swap3A_713], %swap3A_716 {strides = array<i32>} : memref<32x128xi32, #tpu.memory_space<vmem>>, vector<1x16xi32>,
      %get3A_717 = arith.index_cast %scan3A_691 : i32 to index
      %get3A_718 = arith.constant 16 : index
      %get3A_719 = tpu.vector_load %arg5[%get3A_717, %get3A_718] {strides = array<i32>} : memref<32x128xf32, #tpu.memory_space<vmem>>, vector<1x16xf32>,
      %get3A_720 = vector.shape_cast %get3A_719 : vector<1x16xf32> to vector<16xf32>
      %convert_element_type3A_721 = arith.fptosi %get3A_720 : vector<16xf32> to vector<16xi32>
      %sub3A_722 = arith.constant 1 : i32
      %sub3A_723 = vector.broadcast %sub3A_722 : i32 to vector<16xi32>
      %sub3A_724 = arith.subi %convert_element_type3A_721, %sub3A_723 : vector<16xi32>
      %swap3A_725 = arith.index_cast %scan3A_691 : i32 to index
      %swap3A_726 = arith.constant 16 : index
      %swap3A_727 = tpu.vector_load %arg6[%swap3A_725, %swap3A_726] {strides = array<i32>} : memref<32x128xi32, #tpu.memory_space<vmem>>, vector<1x16xi32>,
      %swap3A_728 = vector.shape_cast %swap3A_727 : vector<1x16xi32> to vector<16xi32>
      %swap3A_729 = vector.shape_cast %sub3A_724 : vector<16xi32> to vector<1x16xi32>
      tpu.vector_store %arg6[%swap3A_725, %swap3A_726], %swap3A_729 {strides = array<i32>} : memref<32x128xi32, #tpu.memory_space<vmem>>, vector<1x16xi32>,
      %iota3A_730 = tpu.iota {dimensions = array<i32: 0>} : vector<16xi32>
      %add3A_731 = arith.constant 16 : i32
      %add3A_732 = arith.addi %mul3A_695, %add3A_731 : i32
      %add3A_733 = vector.broadcast %add3A_732 : i32 to vector<16xi32>
      %add3A_734 = arith.addi %iota3A_730, %add3A_733 : vector<16xi32>
      %swap3A_735 = arith.index_cast %scan3A_691 : i32 to index
      %swap3A_736 = arith.constant 16 : index
      %swap3A_737 = tpu.vector_load %arg7[%swap3A_735, %swap3A_736] {strides = array<i32>} : memref<32x128xi32, #tpu.memory_space<vmem>>, vector<1x16xi32>,
      %swap3A_738 = vector.shape_cast %swap3A_737 : vector<1x16xi32> to vector<16xi32>
      %swap3A_739 = vector.shape_cast %add3A_734 : vector<16xi32> to vector<1x16xi32>
      tpu.vector_store %arg7[%swap3A_735, %swap3A_736], %swap3A_739 {strides = array<i32>} : memref<32x128xi32, #tpu.memory_space<vmem>>, vector<1x16xi32>,
      %get3A_740 = arith.index_cast %scan3A_691 : i32 to index
      %get3A_741 = arith.constant 32 : index
      %get3A_742 = tpu.vector_load %arg5[%get3A_740, %get3A_741] {strides = array<i32>} : memref<32x128xf32, #tpu.memory_space<vmem>>, vector<1x16xf32>,
      %get3A_743 = vector.shape_cast %get3A_742 : vector<1x16xf32> to vector<16xf32>
      %convert_element_type3A_744 = arith.fptosi %get3A_743 : vector<16xf32> to vector<16xi32>
      %sub3A_745 = arith.constant 1 : i32
      %sub3A_746 = vector.broadcast %sub3A_745 : i32 to vector<16xi32>
      %sub3A_747 = arith.subi %convert_element_type3A_744, %sub3A_746 : vector<16xi32>
      %swap3A_748 = arith.index_cast %scan3A_691 : i32 to index
      %swap3A_749 = arith.constant 32 : index
      %swap3A_750 = tpu.vector_load %arg6[%swap3A_748, %swap3A_749] {strides = array<i32>} : memref<32x128xi32, #tpu.memory_space<vmem>>, vector<1x16xi32>,
      %swap3A_751 = vector.shape_cast %swap3A_750 : vector<1x16xi32> to vector<16xi32>
      %swap3A_752 = vector.shape_cast %sub3A_747 : vector<16xi32> to vector<1x16xi32>
      tpu.vector_store %arg6[%swap3A_748, %swap3A_749], %swap3A_752 {strides = array<i32>} : memref<32x128xi32, #tpu.memory_space<vmem>>, vector<1x16xi32>,
      %iota3A_753 = tpu.iota {dimensions = array<i32: 0>} : vector<16xi32>
      %add3A_754 = arith.constant 32 : i32
      %add3A_755 = arith.addi %mul3A_695, %add3A_754 : i32
      %add3A_756 = vector.broadcast %add3A_755 : i32 to vector<16xi32>
      %add3A_757 = arith.addi %iota3A_753, %add3A_756 : vector<16xi32>
      %swap3A_758 = arith.index_cast %scan3A_691 : i32 to index
      %swap3A_759 = arith.constant 32 : index
      %swap3A_760 = tpu.vector_load %arg7[%swap3A_758, %swap3A_759] {strides = array<i32>} : memref<32x128xi32, #tpu.memory_space<vmem>>, vector<1x16xi32>,
      %swap3A_761 = vector.shape_cast %swap3A_760 : vector<1x16xi32> to vector<16xi32>
      %swap3A_762 = vector.shape_cast %add3A_757 : vector<16xi32> to vector<1x16xi32>
      tpu.vector_store %arg7[%swap3A_758, %swap3A_759], %swap3A_762 {strides = array<i32>} : memref<32x128xi32, #tpu.memory_space<vmem>>, vector<1x16xi32>,
      %get3A_763 = arith.index_cast %scan3A_691 : i32 to index
      %get3A_764 = arith.constant 48 : index
      %get3A_765 = tpu.vector_load %arg5[%get3A_763, %get3A_764] {strides = array<i32>} : memref<32x128xf32, #tpu.memory_space<vmem>>, vector<1x16xf32>,
      %get3A_766 = vector.shape_cast %get3A_765 : vector<1x16xf32> to vector<16xf32>
      %convert_element_type3A_767 = arith.fptosi %get3A_766 : vector<16xf32> to vector<16xi32>
      %sub3A_768 = arith.constant 1 : i32
      %sub3A_769 = vector.broadcast %sub3A_768 : i32 to vector<16xi32>
      %sub3A_770 = arith.subi %convert_element_type3A_767, %sub3A_769 : vector<16xi32>
      %swap3A_771 = arith.index_cast %scan3A_691 : i32 to index
      %swap3A_772 = arith.constant 48 : index
      %swap3A_773 = tpu.vector_load %arg6[%swap3A_771, %swap3A_772] {strides = array<i32>} : memref<32x128xi32, #tpu.memory_space<vmem>>, vector<1x16xi32>,
      %swap3A_774 = vector.shape_cast %swap3A_773 : vector<1x16xi32> to vector<16xi32>
      %swap3A_775 = vector.shape_cast %sub3A_770 : vector<16xi32> to vector<1x16xi32>
      tpu.vector_store %arg6[%swap3A_771, %swap3A_772], %swap3A_775 {strides = array<i32>} : memref<32x128xi32, #tpu.memory_space<vmem>>, vector<1x16xi32>,
      %iota3A_776 = tpu.iota {dimensions = array<i32: 0>} : vector<16xi32>
      %add3A_777 = arith.constant 48 : i32
      %add3A_778 = arith.addi %mul3A_695, %add3A_777 : i32
      %add3A_779 = vector.broadcast %add3A_778 : i32 to vector<16xi32>
      %add3A_780 = arith.addi %iota3A_776, %add3A_779 : vector<16xi32>
      %swap3A_781 = arith.index_cast %scan3A_691 : i32 to index
      %swap3A_782 = arith.constant 48 : index
      %swap3A_783 = tpu.vector_load %arg7[%swap3A_781, %swap3A_782] {strides = array<i32>} : memref<32x128xi32, #tpu.memory_space<vmem>>, vector<1x16xi32>,
      %swap3A_784 = vector.shape_cast %swap3A_783 : vector<1x16xi32> to vector<16xi32>
      %swap3A_785 = vector.shape_cast %add3A_780 : vector<16xi32> to vector<1x16xi32>
      tpu.vector_store %arg7[%swap3A_781, %swap3A_782], %swap3A_785 {strides = array<i32>} : memref<32x128xi32, #tpu.memory_space<vmem>>, vector<1x16xi32>,
      %get3A_786 = arith.index_cast %scan3A_691 : i32 to index
      %get3A_787 = arith.constant 64 : index
      %get3A_788 = tpu.vector_load %arg5[%get3A_786, %get3A_787] {strides = array<i32>} : memref<32x128xf32, #tpu.memory_space<vmem>>, vector<1x16xf32>,
      %get3A_789 = vector.shape_cast %get3A_788 : vector<1x16xf32> to vector<16xf32>
      %convert_element_type3A_790 = arith.fptosi %get3A_789 : vector<16xf32> to vector<16xi32>
      %sub3A_791 = arith.constant 1 : i32
      %sub3A_792 = vector.broadcast %sub3A_791 : i32 to vector<16xi32>
      %sub3A_793 = arith.subi %convert_element_type3A_790, %sub3A_792 : vector<16xi32>
      %swap3A_794 = arith.index_cast %scan3A_691 : i32 to index
      %swap3A_795 = arith.constant 64 : index
      %swap3A_796 = tpu.vector_load %arg6[%swap3A_794, %swap3A_795] {strides = array<i32>} : memref<32x128xi32, #tpu.memory_space<vmem>>, vector<1x16xi32>,
      %swap3A_797 = vector.shape_cast %swap3A_796 : vector<1x16xi32> to vector<16xi32>
      %swap3A_798 = vector.shape_cast %sub3A_793 : vector<16xi32> to vector<1x16xi32>
      tpu.vector_store %arg6[%swap3A_794, %swap3A_795], %swap3A_798 {strides = array<i32>} : memref<32x128xi32, #tpu.memory_space<vmem>>, vector<1x16xi32>,
      %iota3A_799 = tpu.iota {dimensions = array<i32: 0>} : vector<16xi32>
      %add3A_800 = arith.constant 64 : i32
      %add3A_801 = arith.addi %mul3A_695, %add3A_800 : i32
      %add3A_802 = vector.broadcast %add3A_801 : i32 to vector<16xi32>
      %add3A_803 = arith.addi %iota3A_799, %add3A_802 : vector<16xi32>
      %swap3A_804 = arith.index_cast %scan3A_691 : i32 to index
      %swap3A_805 = arith.constant 64 : index
      %swap3A_806 = tpu.vector_load %arg7[%swap3A_804, %swap3A_805] {strides = array<i32>} : memref<32x128xi32, #tpu.memory_space<vmem>>, vector<1x16xi32>,
      %swap3A_807 = vector.shape_cast %swap3A_806 : vector<1x16xi32> to vector<16xi32>
      %swap3A_808 = vector.shape_cast %add3A_803 : vector<16xi32> to vector<1x16xi32>
      tpu.vector_store %arg7[%swap3A_804, %swap3A_805], %swap3A_808 {strides = array<i32>} : memref<32x128xi32, #tpu.memory_space<vmem>>, vector<1x16xi32>,
      %get3A_809 = arith.index_cast %scan3A_691 : i32 to index
      %get3A_810 = arith.constant 80 : index
      %get3A_811 = tpu.vector_load %arg5[%get3A_809, %get3A_810] {strides = array<i32>} : memref<32x128xf32, #tpu.memory_space<vmem>>, vector<1x16xf32>,
      %get3A_812 = vector.shape_cast %get3A_811 : vector<1x16xf32> to vector<16xf32>
      %convert_element_type3A_813 = arith.fptosi %get3A_812 : vector<16xf32> to vector<16xi32>
      %sub3A_814 = arith.constant 1 : i32
      %sub3A_815 = vector.broadcast %sub3A_814 : i32 to vector<16xi32>
      %sub3A_816 = arith.subi %convert_element_type3A_813, %sub3A_815 : vector<16xi32>
      %swap3A_817 = arith.index_cast %scan3A_691 : i32 to index
      %swap3A_818 = arith.constant 80 : index
      %swap3A_819 = tpu.vector_load %arg6[%swap3A_817, %swap3A_818] {strides = array<i32>} : memref<32x128xi32, #tpu.memory_space<vmem>>, vector<1x16xi32>,
      %swap3A_820 = vector.shape_cast %swap3A_819 : vector<1x16xi32> to vector<16xi32>
      %swap3A_821 = vector.shape_cast %sub3A_816 : vector<16xi32> to vector<1x16xi32>
      tpu.vector_store %arg6[%swap3A_817, %swap3A_818], %swap3A_821 {strides = array<i32>} : memref<32x128xi32, #tpu.memory_space<vmem>>, vector<1x16xi32>,
      %iota3A_822 = tpu.iota {dimensions = array<i32: 0>} : vector<16xi32>
      %add3A_823 = arith.constant 80 : i32
      %add3A_824 = arith.addi %mul3A_695, %add3A_823 : i32
      %add3A_825 = vector.broadcast %add3A_824 : i32 to vector<16xi32>
      %add3A_826 = arith.addi %iota3A_822, %add3A_825 : vector<16xi32>
      %swap3A_827 = arith.index_cast %scan3A_691 : i32 to index
      %swap3A_828 = arith.constant 80 : index
      %swap3A_829 = tpu.vector_load %arg7[%swap3A_827, %swap3A_828] {strides = array<i32>} : memref<32x128xi32, #tpu.memory_space<vmem>>, vector<1x16xi32>,
      %swap3A_830 = vector.shape_cast %swap3A_829 : vector<1x16xi32> to vector<16xi32>
      %swap3A_831 = vector.shape_cast %add3A_826 : vector<16xi32> to vector<1x16xi32>
      tpu.vector_store %arg7[%swap3A_827, %swap3A_828], %swap3A_831 {strides = array<i32>} : memref<32x128xi32, #tpu.memory_space<vmem>>, vector<1x16xi32>,
      %get3A_832 = arith.index_cast %scan3A_691 : i32 to index
      %get3A_833 = arith.constant 96 : index
      %get3A_834 = tpu.vector_load %arg5[%get3A_832, %get3A_833] {strides = array<i32>} : memref<32x128xf32, #tpu.memory_space<vmem>>, vector<1x16xf32>,
      %get3A_835 = vector.shape_cast %get3A_834 : vector<1x16xf32> to vector<16xf32>
      %convert_element_type3A_836 = arith.fptosi %get3A_835 : vector<16xf32> to vector<16xi32>
      %sub3A_837 = arith.constant 1 : i32
      %sub3A_838 = vector.broadcast %sub3A_837 : i32 to vector<16xi32>
      %sub3A_839 = arith.subi %convert_element_type3A_836, %sub3A_838 : vector<16xi32>
      %swap3A_840 = arith.index_cast %scan3A_691 : i32 to index
      %swap3A_841 = arith.constant 96 : index
      %swap3A_842 = tpu.vector_load %arg6[%swap3A_840, %swap3A_841] {strides = array<i32>} : memref<32x128xi32, #tpu.memory_space<vmem>>, vector<1x16xi32>,
      %swap3A_843 = vector.shape_cast %swap3A_842 : vector<1x16xi32> to vector<16xi32>
      %swap3A_844 = vector.shape_cast %sub3A_839 : vector<16xi32> to vector<1x16xi32>
      tpu.vector_store %arg6[%swap3A_840, %swap3A_841], %swap3A_844 {strides = array<i32>} : memref<32x128xi32, #tpu.memory_space<vmem>>, vector<1x16xi32>,
      %iota3A_845 = tpu.iota {dimensions = array<i32: 0>} : vector<16xi32>
      %add3A_846 = arith.constant 96 : i32
      %add3A_847 = arith.addi %mul3A_695, %add3A_846 : i32
      %add3A_848 = vector.broadcast %add3A_847 : i32 to vector<16xi32>
      %add3A_849 = arith.addi %iota3A_845, %add3A_848 : vector<16xi32>
      %swap3A_850 = arith.index_cast %scan3A_691 : i32 to index
      %swap3A_851 = arith.constant 96 : index
      %swap3A_852 = tpu.vector_load %arg7[%swap3A_850, %swap3A_851] {strides = array<i32>} : memref<32x128xi32, #tpu.memory_space<vmem>>, vector<1x16xi32>,
      %swap3A_853 = vector.shape_cast %swap3A_852 : vector<1x16xi32> to vector<16xi32>
      %swap3A_854 = vector.shape_cast %add3A_849 : vector<16xi32> to vector<1x16xi32>
      tpu.vector_store %arg7[%swap3A_850, %swap3A_851], %swap3A_854 {strides = array<i32>} : memref<32x128xi32, #tpu.memory_space<vmem>>, vector<1x16xi32>,
      %get3A_855 = arith.index_cast %scan3A_691 : i32 to index
      %get3A_856 = arith.constant 112 : index
      %get3A_857 = tpu.vector_load %arg5[%get3A_855, %get3A_856] {strides = array<i32>} : memref<32x128xf32, #tpu.memory_space<vmem>>, vector<1x16xf32>,
      %get3A_858 = vector.shape_cast %get3A_857 : vector<1x16xf32> to vector<16xf32>
      %convert_element_type3A_859 = arith.fptosi %get3A_858 : vector<16xf32> to vector<16xi32>
      %sub3A_860 = arith.constant 1 : i32
      %sub3A_861 = vector.broadcast %sub3A_860 : i32 to vector<16xi32>
      %sub3A_862 = arith.subi %convert_element_type3A_859, %sub3A_861 : vector<16xi32>
      %swap3A_863 = arith.index_cast %scan3A_691 : i32 to index
      %swap3A_864 = arith.constant 112 : index
      %swap3A_865 = tpu.vector_load %arg6[%swap3A_863, %swap3A_864] {strides = array<i32>} : memref<32x128xi32, #tpu.memory_space<vmem>>, vector<1x16xi32>,
      %swap3A_866 = vector.shape_cast %swap3A_865 : vector<1x16xi32> to vector<16xi32>
      %swap3A_867 = vector.shape_cast %sub3A_862 : vector<16xi32> to vector<1x16xi32>
      tpu.vector_store %arg6[%swap3A_863, %swap3A_864], %swap3A_867 {strides = array<i32>} : memref<32x128xi32, #tpu.memory_space<vmem>>, vector<1x16xi32>,
      %iota3A_868 = tpu.iota {dimensions = array<i32: 0>} : vector<16xi32>
      %add3A_869 = arith.constant 112 : i32
      %add3A_870 = arith.addi %mul3A_695, %add3A_869 : i32
      %add3A_871 = vector.broadcast %add3A_870 : i32 to vector<16xi32>
      %add3A_872 = arith.addi %iota3A_868, %add3A_871 : vector<16xi32>
      %swap3A_873 = arith.index_cast %scan3A_691 : i32 to index
      %swap3A_874 = arith.constant 112 : index
      %swap3A_875 = tpu.vector_load %arg7[%swap3A_873, %swap3A_874] {strides = array<i32>} : memref<32x128xi32, #tpu.memory_space<vmem>>, vector<1x16xi32>,
      %swap3A_876 = vector.shape_cast %swap3A_875 : vector<1x16xi32> to vector<16xi32>
      %swap3A_877 = vector.shape_cast %add3A_872 : vector<16xi32> to vector<1x16xi32>
      tpu.vector_store %arg7[%swap3A_873, %swap3A_874], %swap3A_877 {strides = array<i32>} : memref<32x128xi32, #tpu.memory_space<vmem>>, vector<1x16xi32>,
      %scan3A_878 = arith.constant 0 : i32
      scf.yield %scan3A_878 : i32
    }
    %scan3A_8 = arith.constant 32 : i32
    %dma_start3A = arith.constant 0 : i32
    %dma_start3A_9 = arith.constant 0 : i32
    %dma_start3A_10 = arith.constant 0 : i32
    %dma_start3A_11 = tpu.memref_slice %arg7[%dma_start3A, %dma_start3A_10] : memref<32x128xi32, #tpu.memory_space<vmem>> -> memref<1x128xi32, #tpu.memory_space<vmem>>
    %dma_start3A_12 = tpu.memref_squeeze %dma_start3A_11 : memref<1x128xi32, #tpu.memory_space<vmem>> -> memref<128xi32, #tpu.memory_space<vmem>>
    %dma_start3A_13 = arith.constant 0 : i32
    %dma_start3A_14 = tpu.memref_slice %arg6[%dma_start3A_9, %dma_start3A_13] : memref<32x128xi32, #tpu.memory_space<vmem>> -> memref<1x128xi32, #tpu.memory_space<vmem>>
    %dma_start3A_15 = tpu.memref_squeeze %dma_start3A_14 : memref<1x128xi32, #tpu.memory_space<vmem>> -> memref<128xi32, #tpu.memory_space<vmem>>
    %dma_start3A_16 = arith.constant 0 : i32
    %dma_start3A_17 = tpu.memref_slice %arg12[%dma_start3A_16] : memref<65536xi32, #tpu.memory_space<vmem_shared>> -> memref<65536xi32, #tpu.memory_space<vmem_shared>>
    tpu.enqueue_indirect_dma source(%dma_start3A_12 : memref<128xi32, #tpu.memory_space<vmem>>) target(%dma_start3A_17 : memref<65536xi32, #tpu.memory_space<vmem_shared>>) offsets(%dma_start3A_15 : memref<128xi32, #tpu.memory_space<vmem>>) semaphore(%arg13 : memref<!tpu.dma_semaphore, #tpu.memory_space<semaphore_mem>>)
    %dma_start3A_18 = arith.constant 1 : i32
    %dma_start3A_19 = arith.constant 1 : i32
    %dma_start3A_20 = arith.constant 0 : i32
    %dma_start3A_21 = tpu.memref_slice %arg7[%dma_start3A_18, %dma_start3A_20] : memref<32x128xi32, #tpu.memory_space<vmem>> -> memref<1x128xi32, #tpu.memory_space<vmem>>
    %dma_start3A_22 = tpu.memref_squeeze %dma_start3A_21 : memref<1x128xi32, #tpu.memory_space<vmem>> -> memref<128xi32, #tpu.memory_space<vmem>>
    %dma_start3A_23 = arith.constant 0 : i32
    %dma_start3A_24 = tpu.memref_slice %arg6[%dma_start3A_19, %dma_start3A_23] : memref<32x128xi32, #tpu.memory_space<vmem>> -> memref<1x128xi32, #tpu.memory_space<vmem>>
    %dma_start3A_25 = tpu.memref_squeeze %dma_start3A_24 : memref<1x128xi32, #tpu.memory_space<vmem>> -> memref<128xi32, #tpu.memory_space<vmem>>
    %dma_start3A_26 = arith.constant 0 : i32
    %dma_start3A_27 = tpu.memref_slice %arg12[%dma_start3A_26] : memref<65536xi32, #tpu.memory_space<vmem_shared>> -> memref<65536xi32, #tpu.memory_space<vmem_shared>>
    tpu.enqueue_indirect_dma source(%dma_start3A_22 : memref<128xi32, #tpu.memory_space<vmem>>) target(%dma_start3A_27 : memref<65536xi32, #tpu.memory_space<vmem_shared>>) offsets(%dma_start3A_25 : memref<128xi32, #tpu.memory_space<vmem>>) semaphore(%arg13 : memref<!tpu.dma_semaphore, #tpu.memory_space<semaphore_mem>>)
    %dma_start3A_28 = arith.constant 2 : i32
    %dma_start3A_29 = arith.constant 2 : i32
    %dma_start3A_30 = arith.constant 0 : i32
    %dma_start3A_31 = tpu.memref_slice %arg7[%dma_start3A_28, %dma_start3A_30] : memref<32x128xi32, #tpu.memory_space<vmem>> -> memref<1x128xi32, #tpu.memory_space<vmem>>
    %dma_start3A_32 = tpu.memref_squeeze %dma_start3A_31 : memref<1x128xi32, #tpu.memory_space<vmem>> -> memref<128xi32, #tpu.memory_space<vmem>>
    %dma_start3A_33 = arith.constant 0 : i32
    %dma_start3A_34 = tpu.memref_slice %arg6[%dma_start3A_29, %dma_start3A_33] : memref<32x128xi32, #tpu.memory_space<vmem>> -> memref<1x128xi32, #tpu.memory_space<vmem>>
    %dma_start3A_35 = tpu.memref_squeeze %dma_start3A_34 : memref<1x128xi32, #tpu.memory_space<vmem>> -> memref<128xi32, #tpu.memory_space<vmem>>
    %dma_start3A_36 = arith.constant 0 : i32
    %dma_start3A_37 = tpu.memref_slice %arg12[%dma_start3A_36] : memref<65536xi32, #tpu.memory_space<vmem_shared>> -> memref<65536xi32, #tpu.memory_space<vmem_shared>>
    tpu.enqueue_indirect_dma source(%dma_start3A_32 : memref<128xi32, #tpu.memory_space<vmem>>) target(%dma_start3A_37 : memref<65536xi32, #tpu.memory_space<vmem_shared>>) offsets(%dma_start3A_35 : memref<128xi32, #tpu.memory_space<vmem>>) semaphore(%arg13 : memref<!tpu.dma_semaphore, #tpu.memory_space<semaphore_mem>>)
    %dma_start3A_38 = arith.constant 3 : i32
    %dma_start3A_39 = arith.constant 3 : i32
    %dma_start3A_40 = arith.constant 0 : i32
    %dma_start3A_41 = tpu.memref_slice %arg7[%dma_start3A_38, %dma_start3A_40] : memref<32x128xi32, #tpu.memory_space<vmem>> -> memref<1x128xi32, #tpu.memory_space<vmem>>
    %dma_start3A_42 = tpu.memref_squeeze %dma_start3A_41 : memref<1x128xi32, #tpu.memory_space<vmem>> -> memref<128xi32, #tpu.memory_space<vmem>>
    %dma_start3A_43 = arith.constant 0 : i32
    %dma_start3A_44 = tpu.memref_slice %arg6[%dma_start3A_39, %dma_start3A_43] : memref<32x128xi32, #tpu.memory_space<vmem>> -> memref<1x128xi32, #tpu.memory_space<vmem>>
    %dma_start3A_45 = tpu.memref_squeeze %dma_start3A_44 : memref<1x128xi32, #tpu.memory_space<vmem>> -> memref<128xi32, #tpu.memory_space<vmem>>
    %dma_start3A_46 = arith.constant 0 : i32
    %dma_start3A_47 = tpu.memref_slice %arg12[%dma_start3A_46] : memref<65536xi32, #tpu.memory_space<vmem_shared>> -> memref<65536xi32, #tpu.memory_space<vmem_shared>>
    tpu.enqueue_indirect_dma source(%dma_start3A_42 : memref<128xi32, #tpu.memory_space<vmem>>) target(%dma_start3A_47 : memref<65536xi32, #tpu.memory_space<vmem_shared>>) offsets(%dma_start3A_45 : memref<128xi32, #tpu.memory_space<vmem>>) semaphore(%arg13 : memref<!tpu.dma_semaphore, #tpu.memory_space<semaphore_mem>>)
    %dma_start3A_48 = arith.constant 4 : i32
    %dma_start3A_49 = arith.constant 4 : i32
    %dma_start3A_50 = arith.constant 0 : i32
    %dma_start3A_51 = tpu.memref_slice %arg7[%dma_start3A_48, %dma_start3A_50] : memref<32x128xi32, #tpu.memory_space<vmem>> -> memref<1x128xi32, #tpu.memory_space<vmem>>
    %dma_start3A_52 = tpu.memref_squeeze %dma_start3A_51 : memref<1x128xi32, #tpu.memory_space<vmem>> -> memref<128xi32, #tpu.memory_space<vmem>>
    %dma_start3A_53 = arith.constant 0 : i32
    %dma_start3A_54 = tpu.memref_slice %arg6[%dma_start3A_49, %dma_start3A_53] : memref<32x128xi32, #tpu.memory_space<vmem>> -> memref<1x128xi32, #tpu.memory_space<vmem>>
    %dma_start3A_55 = tpu.memref_squeeze %dma_start3A_54 : memref<1x128xi32, #tpu.memory_space<vmem>> -> memref<128xi32, #tpu.memory_space<vmem>>
    %dma_start3A_56 = arith.constant 0 : i32
    %dma_start3A_57 = tpu.memref_slice %arg12[%dma_start3A_56] : memref<65536xi32, #tpu.memory_space<vmem_shared>> -> memref<65536xi32, #tpu.memory_space<vmem_shared>>
    tpu.enqueue_indirect_dma source(%dma_start3A_52 : memref<128xi32, #tpu.memory_space<vmem>>) target(%dma_start3A_57 : memref<65536xi32, #tpu.memory_space<vmem_shared>>) offsets(%dma_start3A_55 : memref<128xi32, #tpu.memory_space<vmem>>) semaphore(%arg13 : memref<!tpu.dma_semaphore, #tpu.memory_space<semaphore_mem>>)
    %dma_start3A_58 = arith.constant 5 : i32
    %dma_start3A_59 = arith.constant 5 : i32
    %dma_start3A_60 = arith.constant 0 : i32
    %dma_start3A_61 = tpu.memref_slice %arg7[%dma_start3A_58, %dma_start3A_60] : memref<32x128xi32, #tpu.memory_space<vmem>> -> memref<1x128xi32, #tpu.memory_space<vmem>>
    %dma_start3A_62 = tpu.memref_squeeze %dma_start3A_61 : memref<1x128xi32, #tpu.memory_space<vmem>> -> memref<128xi32, #tpu.memory_space<vmem>>
    %dma_start3A_63 = arith.constant 0 : i32
    %dma_start3A_64 = tpu.memref_slice %arg6[%dma_start3A_59, %dma_start3A_63] : memref<32x128xi32, #tpu.memory_space<vmem>> -> memref<1x128xi32, #tpu.memory_space<vmem>>
    %dma_start3A_65 = tpu.memref_squeeze %dma_start3A_64 : memref<1x128xi32, #tpu.memory_space<vmem>> -> memref<128xi32, #tpu.memory_space<vmem>>
    %dma_start3A_66 = arith.constant 0 : i32
    %dma_start3A_67 = tpu.memref_slice %arg12[%dma_start3A_66] : memref<65536xi32, #tpu.memory_space<vmem_shared>> -> memref<65536xi32, #tpu.memory_space<vmem_shared>>
    tpu.enqueue_indirect_dma source(%dma_start3A_62 : memref<128xi32, #tpu.memory_space<vmem>>) target(%dma_start3A_67 : memref<65536xi32, #tpu.memory_space<vmem_shared>>) offsets(%dma_start3A_65 : memref<128xi32, #tpu.memory_space<vmem>>) semaphore(%arg13 : memref<!tpu.dma_semaphore, #tpu.memory_space<semaphore_mem>>)
    %dma_start3A_68 = arith.constant 6 : i32
    %dma_start3A_69 = arith.constant 6 : i32
    %dma_start3A_70 = arith.constant 0 : i32
    %dma_start3A_71 = tpu.memref_slice %arg7[%dma_start3A_68, %dma_start3A_70] : memref<32x128xi32, #tpu.memory_space<vmem>> -> memref<1x128xi32, #tpu.memory_space<vmem>>
    %dma_start3A_72 = tpu.memref_squeeze %dma_start3A_71 : memref<1x128xi32, #tpu.memory_space<vmem>> -> memref<128xi32, #tpu.memory_space<vmem>>
    %dma_start3A_73 = arith.constant 0 : i32
    %dma_start3A_74 = tpu.memref_slice %arg6[%dma_start3A_69, %dma_start3A_73] : memref<32x128xi32, #tpu.memory_space<vmem>> -> memref<1x128xi32, #tpu.memory_space<vmem>>
    %dma_start3A_75 = tpu.memref_squeeze %dma_start3A_74 : memref<1x128xi32, #tpu.memory_space<vmem>> -> memref<128xi32, #tpu.memory_space<vmem>>
    %dma_start3A_76 = arith.constant 0 : i32
    %dma_start3A_77 = tpu.memref_slice %arg12[%dma_start3A_76] : memref<65536xi32, #tpu.memory_space<vmem_shared>> -> memref<65536xi32, #tpu.memory_space<vmem_shared>>
    tpu.enqueue_indirect_dma source(%dma_start3A_72 : memref<128xi32, #tpu.memory_space<vmem>>) target(%dma_start3A_77 : memref<65536xi32, #tpu.memory_space<vmem_shared>>) offsets(%dma_start3A_75 : memref<128xi32, #tpu.memory_space<vmem>>) semaphore(%arg13 : memref<!tpu.dma_semaphore, #tpu.memory_space<semaphore_mem>>)
    %dma_start3A_78 = arith.constant 7 : i32
    %dma_start3A_79 = arith.constant 7 : i32
    %dma_start3A_80 = arith.constant 0 : i32
    %dma_start3A_81 = tpu.memref_slice %arg7[%dma_start3A_78, %dma_start3A_80] : memref<32x128xi32, #tpu.memory_space<vmem>> -> memref<1x128xi32, #tpu.memory_space<vmem>>
    %dma_start3A_82 = tpu.memref_squeeze %dma_start3A_81 : memref<1x128xi32, #tpu.memory_space<vmem>> -> memref<128xi32, #tpu.memory_space<vmem>>
    %dma_start3A_83 = arith.constant 0 : i32
    %dma_start3A_84 = tpu.memref_slice %arg6[%dma_start3A_79, %dma_start3A_83] : memref<32x128xi32, #tpu.memory_space<vmem>> -> memref<1x128xi32, #tpu.memory_space<vmem>>
    %dma_start3A_85 = tpu.memref_squeeze %dma_start3A_84 : memref<1x128xi32, #tpu.memory_space<vmem>> -> memref<128xi32, #tpu.memory_space<vmem>>
    %dma_start3A_86 = arith.constant 0 : i32
    %dma_start3A_87 = tpu.memref_slice %arg12[%dma_start3A_86] : memref<65536xi32, #tpu.memory_space<vmem_shared>> -> memref<65536xi32, #tpu.memory_space<vmem_shared>>
    tpu.enqueue_indirect_dma source(%dma_start3A_82 : memref<128xi32, #tpu.memory_space<vmem>>) target(%dma_start3A_87 : memref<65536xi32, #tpu.memory_space<vmem_shared>>) offsets(%dma_start3A_85 : memref<128xi32, #tpu.memory_space<vmem>>) semaphore(%arg13 : memref<!tpu.dma_semaphore, #tpu.memory_space<semaphore_mem>>)
    %dma_start3A_88 = arith.constant 8 : i32
    %dma_start3A_89 = arith.constant 8 : i32
    %dma_start3A_90 = arith.constant 0 : i32
    %dma_start3A_91 = tpu.memref_slice %arg7[%dma_start3A_88, %dma_start3A_90] : memref<32x128xi32, #tpu.memory_space<vmem>> -> memref<1x128xi32, #tpu.memory_space<vmem>>
    %dma_start3A_92 = tpu.memref_squeeze %dma_start3A_91 : memref<1x128xi32, #tpu.memory_space<vmem>> -> memref<128xi32, #tpu.memory_space<vmem>>
    %dma_start3A_93 = arith.constant 0 : i32
    %dma_start3A_94 = tpu.memref_slice %arg6[%dma_start3A_89, %dma_start3A_93] : memref<32x128xi32, #tpu.memory_space<vmem>> -> memref<1x128xi32, #tpu.memory_space<vmem>>
    %dma_start3A_95 = tpu.memref_squeeze %dma_start3A_94 : memref<1x128xi32, #tpu.memory_space<vmem>> -> memref<128xi32, #tpu.memory_space<vmem>>
    %dma_start3A_96 = arith.constant 0 : i32
    %dma_start3A_97 = tpu.memref_slice %arg12[%dma_start3A_96] : memref<65536xi32, #tpu.memory_space<vmem_shared>> -> memref<65536xi32, #tpu.memory_space<vmem_shared>>
    tpu.enqueue_indirect_dma source(%dma_start3A_92 : memref<128xi32, #tpu.memory_space<vmem>>) target(%dma_start3A_97 : memref<65536xi32, #tpu.memory_space<vmem_shared>>) offsets(%dma_start3A_95 : memref<128xi32, #tpu.memory_space<vmem>>) semaphore(%arg13 : memref<!tpu.dma_semaphore, #tpu.memory_space<semaphore_mem>>)
    %dma_start3A_98 = arith.constant 9 : i32
    %dma_start3A_99 = arith.constant 9 : i32
    %dma_start3A_100 = arith.constant 0 : i32
    %dma_start3A_101 = tpu.memref_slice %arg7[%dma_start3A_98, %dma_start3A_100] : memref<32x128xi32, #tpu.memory_space<vmem>> -> memref<1x128xi32, #tpu.memory_space<vmem>>
    %dma_start3A_102 = tpu.memref_squeeze %dma_start3A_101 : memref<1x128xi32, #tpu.memory_space<vmem>> -> memref<128xi32, #tpu.memory_space<vmem>>
    %dma_start3A_103 = arith.constant 0 : i32
    %dma_start3A_104 = tpu.memref_slice %arg6[%dma_start3A_99, %dma_start3A_103] : memref<32x128xi32, #tpu.memory_space<vmem>> -> memref<1x128xi32, #tpu.memory_space<vmem>>
    %dma_start3A_105 = tpu.memref_squeeze %dma_start3A_104 : memref<1x128xi32, #tpu.memory_space<vmem>> -> memref<128xi32, #tpu.memory_space<vmem>>
    %dma_start3A_106 = arith.constant 0 : i32
    %dma_start3A_107 = tpu.memref_slice %arg12[%dma_start3A_106] : memref<65536xi32, #tpu.memory_space<vmem_shared>> -> memref<65536xi32, #tpu.memory_space<vmem_shared>>
    tpu.enqueue_indirect_dma source(%dma_start3A_102 : memref<128xi32, #tpu.memory_space<vmem>>) target(%dma_start3A_107 : memref<65536xi32, #tpu.memory_space<vmem_shared>>) offsets(%dma_start3A_105 : memref<128xi32, #tpu.memory_space<vmem>>) semaphore(%arg13 : memref<!tpu.dma_semaphore, #tpu.memory_space<semaphore_mem>>)
    %dma_start3A_108 = arith.constant 10 : i32
    %dma_start3A_109 = arith.constant 10 : i32
    %dma_start3A_110 = arith.constant 0 : i32
    %dma_start3A_111 = tpu.memref_slice %arg7[%dma_start3A_108, %dma_start3A_110] : memref<32x128xi32, #tpu.memory_space<vmem>> -> memref<1x128xi32, #tpu.memory_space<vmem>>
    %dma_start3A_112 = tpu.memref_squeeze %dma_start3A_111 : memref<1x128xi32, #tpu.memory_space<vmem>> -> memref<128xi32, #tpu.memory_space<vmem>>
    %dma_start3A_113 = arith.constant 0 : i32
    %dma_start3A_114 = tpu.memref_slice %arg6[%dma_start3A_109, %dma_start3A_113] : memref<32x128xi32, #tpu.memory_space<vmem>> -> memref<1x128xi32, #tpu.memory_space<vmem>>
    %dma_start3A_115 = tpu.memref_squeeze %dma_start3A_114 : memref<1x128xi32, #tpu.memory_space<vmem>> -> memref<128xi32, #tpu.memory_space<vmem>>
    %dma_start3A_116 = arith.constant 0 : i32
    %dma_start3A_117 = tpu.memref_slice %arg12[%dma_start3A_116] : memref<65536xi32, #tpu.memory_space<vmem_shared>> -> memref<65536xi32, #tpu.memory_space<vmem_shared>>
    tpu.enqueue_indirect_dma source(%dma_start3A_112 : memref<128xi32, #tpu.memory_space<vmem>>) target(%dma_start3A_117 : memref<65536xi32, #tpu.memory_space<vmem_shared>>) offsets(%dma_start3A_115 : memref<128xi32, #tpu.memory_space<vmem>>) semaphore(%arg13 : memref<!tpu.dma_semaphore, #tpu.memory_space<semaphore_mem>>)
    %dma_start3A_118 = arith.constant 11 : i32
    %dma_start3A_119 = arith.constant 11 : i32
    %dma_start3A_120 = arith.constant 0 : i32
    %dma_start3A_121 = tpu.memref_slice %arg7[%dma_start3A_118, %dma_start3A_120] : memref<32x128xi32, #tpu.memory_space<vmem>> -> memref<1x128xi32, #tpu.memory_space<vmem>>
    %dma_start3A_122 = tpu.memref_squeeze %dma_start3A_121 : memref<1x128xi32, #tpu.memory_space<vmem>> -> memref<128xi32, #tpu.memory_space<vmem>>
    %dma_start3A_123 = arith.constant 0 : i32
    %dma_start3A_124 = tpu.memref_slice %arg6[%dma_start3A_119, %dma_start3A_123] : memref<32x128xi32, #tpu.memory_space<vmem>> -> memref<1x128xi32, #tpu.memory_space<vmem>>
    %dma_start3A_125 = tpu.memref_squeeze %dma_start3A_124 : memref<1x128xi32, #tpu.memory_space<vmem>> -> memref<128xi32, #tpu.memory_space<vmem>>
    %dma_start3A_126 = arith.constant 0 : i32
    %dma_start3A_127 = tpu.memref_slice %arg12[%dma_start3A_126] : memref<65536xi32, #tpu.memory_space<vmem_shared>> -> memref<65536xi32, #tpu.memory_space<vmem_shared>>
    tpu.enqueue_indirect_dma source(%dma_start3A_122 : memref<128xi32, #tpu.memory_space<vmem>>) target(%dma_start3A_127 : memref<65536xi32, #tpu.memory_space<vmem_shared>>) offsets(%dma_start3A_125 : memref<128xi32, #tpu.memory_space<vmem>>) semaphore(%arg13 : memref<!tpu.dma_semaphore, #tpu.memory_space<semaphore_mem>>)
    %dma_start3A_128 = arith.constant 12 : i32
    %dma_start3A_129 = arith.constant 12 : i32
    %dma_start3A_130 = arith.constant 0 : i32
    %dma_start3A_131 = tpu.memref_slice %arg7[%dma_start3A_128, %dma_start3A_130] : memref<32x128xi32, #tpu.memory_space<vmem>> -> memref<1x128xi32, #tpu.memory_space<vmem>>
    %dma_start3A_132 = tpu.memref_squeeze %dma_start3A_131 : memref<1x128xi32, #tpu.memory_space<vmem>> -> memref<128xi32, #tpu.memory_space<vmem>>
    %dma_start3A_133 = arith.constant 0 : i32
    %dma_start3A_134 = tpu.memref_slice %arg6[%dma_start3A_129, %dma_start3A_133] : memref<32x128xi32, #tpu.memory_space<vmem>> -> memref<1x128xi32, #tpu.memory_space<vmem>>
    %dma_start3A_135 = tpu.memref_squeeze %dma_start3A_134 : memref<1x128xi32, #tpu.memory_space<vmem>> -> memref<128xi32, #tpu.memory_space<vmem>>
    %dma_start3A_136 = arith.constant 0 : i32
    %dma_start3A_137 = tpu.memref_slice %arg12[%dma_start3A_136] : memref<65536xi32, #tpu.memory_space<vmem_shared>> -> memref<65536xi32, #tpu.memory_space<vmem_shared>>
    tpu.enqueue_indirect_dma source(%dma_start3A_132 : memref<128xi32, #tpu.memory_space<vmem>>) target(%dma_start3A_137 : memref<65536xi32, #tpu.memory_space<vmem_shared>>) offsets(%dma_start3A_135 : memref<128xi32, #tpu.memory_space<vmem>>) semaphore(%arg13 : memref<!tpu.dma_semaphore, #tpu.memory_space<semaphore_mem>>)
    %dma_start3A_138 = arith.constant 13 : i32
    %dma_start3A_139 = arith.constant 13 : i32
    %dma_start3A_140 = arith.constant 0 : i32
    %dma_start3A_141 = tpu.memref_slice %arg7[%dma_start3A_138, %dma_start3A_140] : memref<32x128xi32, #tpu.memory_space<vmem>> -> memref<1x128xi32, #tpu.memory_space<vmem>>
    %dma_start3A_142 = tpu.memref_squeeze %dma_start3A_141 : memref<1x128xi32, #tpu.memory_space<vmem>> -> memref<128xi32, #tpu.memory_space<vmem>>
    %dma_start3A_143 = arith.constant 0 : i32
    %dma_start3A_144 = tpu.memref_slice %arg6[%dma_start3A_139, %dma_start3A_143] : memref<32x128xi32, #tpu.memory_space<vmem>> -> memref<1x128xi32, #tpu.memory_space<vmem>>
    %dma_start3A_145 = tpu.memref_squeeze %dma_start3A_144 : memref<1x128xi32, #tpu.memory_space<vmem>> -> memref<128xi32, #tpu.memory_space<vmem>>
    %dma_start3A_146 = arith.constant 0 : i32
    %dma_start3A_147 = tpu.memref_slice %arg12[%dma_start3A_146] : memref<65536xi32, #tpu.memory_space<vmem_shared>> -> memref<65536xi32, #tpu.memory_space<vmem_shared>>
    tpu.enqueue_indirect_dma source(%dma_start3A_142 : memref<128xi32, #tpu.memory_space<vmem>>) target(%dma_start3A_147 : memref<65536xi32, #tpu.memory_space<vmem_shared>>) offsets(%dma_start3A_145 : memref<128xi32, #tpu.memory_space<vmem>>) semaphore(%arg13 : memref<!tpu.dma_semaphore, #tpu.memory_space<semaphore_mem>>)
    %dma_start3A_148 = arith.constant 14 : i32
    %dma_start3A_149 = arith.constant 14 : i32
    %dma_start3A_150 = arith.constant 0 : i32
    %dma_start3A_151 = tpu.memref_slice %arg7[%dma_start3A_148, %dma_start3A_150] : memref<32x128xi32, #tpu.memory_space<vmem>> -> memref<1x128xi32, #tpu.memory_space<vmem>>
    %dma_start3A_152 = tpu.memref_squeeze %dma_start3A_151 : memref<1x128xi32, #tpu.memory_space<vmem>> -> memref<128xi32, #tpu.memory_space<vmem>>
    %dma_start3A_153 = arith.constant 0 : i32
    %dma_start3A_154 = tpu.memref_slice %arg6[%dma_start3A_149, %dma_start3A_153] : memref<32x128xi32, #tpu.memory_space<vmem>> -> memref<1x128xi32, #tpu.memory_space<vmem>>
    %dma_start3A_155 = tpu.memref_squeeze %dma_start3A_154 : memref<1x128xi32, #tpu.memory_space<vmem>> -> memref<128xi32, #tpu.memory_space<vmem>>
    %dma_start3A_156 = arith.constant 0 : i32
    %dma_start3A_157 = tpu.memref_slice %arg12[%dma_start3A_156] : memref<65536xi32, #tpu.memory_space<vmem_shared>> -> memref<65536xi32, #tpu.memory_space<vmem_shared>>
    tpu.enqueue_indirect_dma source(%dma_start3A_152 : memref<128xi32, #tpu.memory_space<vmem>>) target(%dma_start3A_157 : memref<65536xi32, #tpu.memory_space<vmem_shared>>) offsets(%dma_start3A_155 : memref<128xi32, #tpu.memory_space<vmem>>) semaphore(%arg13 : memref<!tpu.dma_semaphore, #tpu.memory_space<semaphore_mem>>)
    %dma_start3A_158 = arith.constant 15 : i32
    %dma_start3A_159 = arith.constant 15 : i32
    %dma_start3A_160 = arith.constant 0 : i32
    %dma_start3A_161 = tpu.memref_slice %arg7[%dma_start3A_158, %dma_start3A_160] : memref<32x128xi32, #tpu.memory_space<vmem>> -> memref<1x128xi32, #tpu.memory_space<vmem>>
    %dma_start3A_162 = tpu.memref_squeeze %dma_start3A_161 : memref<1x128xi32, #tpu.memory_space<vmem>> -> memref<128xi32, #tpu.memory_space<vmem>>
    %dma_start3A_163 = arith.constant 0 : i32
    %dma_start3A_164 = tpu.memref_slice %arg6[%dma_start3A_159, %dma_start3A_163] : memref<32x128xi32, #tpu.memory_space<vmem>> -> memref<1x128xi32, #tpu.memory_space<vmem>>
    %dma_start3A_165 = tpu.memref_squeeze %dma_start3A_164 : memref<1x128xi32, #tpu.memory_space<vmem>> -> memref<128xi32, #tpu.memory_space<vmem>>
    %dma_start3A_166 = arith.constant 0 : i32
    %dma_start3A_167 = tpu.memref_slice %arg12[%dma_start3A_166] : memref<65536xi32, #tpu.memory_space<vmem_shared>> -> memref<65536xi32, #tpu.memory_space<vmem_shared>>
    tpu.enqueue_indirect_dma source(%dma_start3A_162 : memref<128xi32, #tpu.memory_space<vmem>>) target(%dma_start3A_167 : memref<65536xi32, #tpu.memory_space<vmem_shared>>) offsets(%dma_start3A_165 : memref<128xi32, #tpu.memory_space<vmem>>) semaphore(%arg13 : memref<!tpu.dma_semaphore, #tpu.memory_space<semaphore_mem>>)
    %dma_start3A_168 = arith.constant 16 : i32
    %dma_start3A_169 = arith.constant 16 : i32
    %dma_start3A_170 = arith.constant 0 : i32
    %dma_start3A_171 = tpu.memref_slice %arg7[%dma_start3A_168, %dma_start3A_170] : memref<32x128xi32, #tpu.memory_space<vmem>> -> memref<1x128xi32, #tpu.memory_space<vmem>>
    %dma_start3A_172 = tpu.memref_squeeze %dma_start3A_171 : memref<1x128xi32, #tpu.memory_space<vmem>> -> memref<128xi32, #tpu.memory_space<vmem>>
    %dma_start3A_173 = arith.constant 0 : i32
    %dma_start3A_174 = tpu.memref_slice %arg6[%dma_start3A_169, %dma_start3A_173] : memref<32x128xi32, #tpu.memory_space<vmem>> -> memref<1x128xi32, #tpu.memory_space<vmem>>
    %dma_start3A_175 = tpu.memref_squeeze %dma_start3A_174 : memref<1x128xi32, #tpu.memory_space<vmem>> -> memref<128xi32, #tpu.memory_space<vmem>>
    %dma_start3A_176 = arith.constant 0 : i32
    %dma_start3A_177 = tpu.memref_slice %arg12[%dma_start3A_176] : memref<65536xi32, #tpu.memory_space<vmem_shared>> -> memref<65536xi32, #tpu.memory_space<vmem_shared>>
    tpu.enqueue_indirect_dma source(%dma_start3A_172 : memref<128xi32, #tpu.memory_space<vmem>>) target(%dma_start3A_177 : memref<65536xi32, #tpu.memory_space<vmem_shared>>) offsets(%dma_start3A_175 : memref<128xi32, #tpu.memory_space<vmem>>) semaphore(%arg13 : memref<!tpu.dma_semaphore, #tpu.memory_space<semaphore_mem>>)
    %dma_start3A_178 = arith.constant 17 : i32
    %dma_start3A_179 = arith.constant 17 : i32
    %dma_start3A_180 = arith.constant 0 : i32
    %dma_start3A_181 = tpu.memref_slice %arg7[%dma_start3A_178, %dma_start3A_180] : memref<32x128xi32, #tpu.memory_space<vmem>> -> memref<1x128xi32, #tpu.memory_space<vmem>>
    %dma_start3A_182 = tpu.memref_squeeze %dma_start3A_181 : memref<1x128xi32, #tpu.memory_space<vmem>> -> memref<128xi32, #tpu.memory_space<vmem>>
    %dma_start3A_183 = arith.constant 0 : i32
    %dma_start3A_184 = tpu.memref_slice %arg6[%dma_start3A_179, %dma_start3A_183] : memref<32x128xi32, #tpu.memory_space<vmem>> -> memref<1x128xi32, #tpu.memory_space<vmem>>
    %dma_start3A_185 = tpu.memref_squeeze %dma_start3A_184 : memref<1x128xi32, #tpu.memory_space<vmem>> -> memref<128xi32, #tpu.memory_space<vmem>>
    %dma_start3A_186 = arith.constant 0 : i32
    %dma_start3A_187 = tpu.memref_slice %arg12[%dma_start3A_186] : memref<65536xi32, #tpu.memory_space<vmem_shared>> -> memref<65536xi32, #tpu.memory_space<vmem_shared>>
    tpu.enqueue_indirect_dma source(%dma_start3A_182 : memref<128xi32, #tpu.memory_space<vmem>>) target(%dma_start3A_187 : memref<65536xi32, #tpu.memory_space<vmem_shared>>) offsets(%dma_start3A_185 : memref<128xi32, #tpu.memory_space<vmem>>) semaphore(%arg13 : memref<!tpu.dma_semaphore, #tpu.memory_space<semaphore_mem>>)
    %dma_start3A_188 = arith.constant 18 : i32
    %dma_start3A_189 = arith.constant 18 : i32
    %dma_start3A_190 = arith.constant 0 : i32
    %dma_start3A_191 = tpu.memref_slice %arg7[%dma_start3A_188, %dma_start3A_190] : memref<32x128xi32, #tpu.memory_space<vmem>> -> memref<1x128xi32, #tpu.memory_space<vmem>>
    %dma_start3A_192 = tpu.memref_squeeze %dma_start3A_191 : memref<1x128xi32, #tpu.memory_space<vmem>> -> memref<128xi32, #tpu.memory_space<vmem>>
    %dma_start3A_193 = arith.constant 0 : i32
    %dma_start3A_194 = tpu.memref_slice %arg6[%dma_start3A_189, %dma_start3A_193] : memref<32x128xi32, #tpu.memory_space<vmem>> -> memref<1x128xi32, #tpu.memory_space<vmem>>
    %dma_start3A_195 = tpu.memref_squeeze %dma_start3A_194 : memref<1x128xi32, #tpu.memory_space<vmem>> -> memref<128xi32, #tpu.memory_space<vmem>>
    %dma_start3A_196 = arith.constant 0 : i32
    %dma_start3A_197 = tpu.memref_slice %arg12[%dma_start3A_196] : memref<65536xi32, #tpu.memory_space<vmem_shared>> -> memref<65536xi32, #tpu.memory_space<vmem_shared>>
    tpu.enqueue_indirect_dma source(%dma_start3A_192 : memref<128xi32, #tpu.memory_space<vmem>>) target(%dma_start3A_197 : memref<65536xi32, #tpu.memory_space<vmem_shared>>) offsets(%dma_start3A_195 : memref<128xi32, #tpu.memory_space<vmem>>) semaphore(%arg13 : memref<!tpu.dma_semaphore, #tpu.memory_space<semaphore_mem>>)
    %dma_start3A_198 = arith.constant 19 : i32
    %dma_start3A_199 = arith.constant 19 : i32
    %dma_start3A_200 = arith.constant 0 : i32
    %dma_start3A_201 = tpu.memref_slice %arg7[%dma_start3A_198, %dma_start3A_200] : memref<32x128xi32, #tpu.memory_space<vmem>> -> memref<1x128xi32, #tpu.memory_space<vmem>>
    %dma_start3A_202 = tpu.memref_squeeze %dma_start3A_201 : memref<1x128xi32, #tpu.memory_space<vmem>> -> memref<128xi32, #tpu.memory_space<vmem>>
    %dma_start3A_203 = arith.constant 0 : i32
    %dma_start3A_204 = tpu.memref_slice %arg6[%dma_start3A_199, %dma_start3A_203] : memref<32x128xi32, #tpu.memory_space<vmem>> -> memref<1x128xi32, #tpu.memory_space<vmem>>
    %dma_start3A_205 = tpu.memref_squeeze %dma_start3A_204 : memref<1x128xi32, #tpu.memory_space<vmem>> -> memref<128xi32, #tpu.memory_space<vmem>>
    %dma_start3A_206 = arith.constant 0 : i32
    %dma_start3A_207 = tpu.memref_slice %arg12[%dma_start3A_206] : memref<65536xi32, #tpu.memory_space<vmem_shared>> -> memref<65536xi32, #tpu.memory_space<vmem_shared>>
    tpu.enqueue_indirect_dma source(%dma_start3A_202 : memref<128xi32, #tpu.memory_space<vmem>>) target(%dma_start3A_207 : memref<65536xi32, #tpu.memory_space<vmem_shared>>) offsets(%dma_start3A_205 : memref<128xi32, #tpu.memory_space<vmem>>) semaphore(%arg13 : memref<!tpu.dma_semaphore, #tpu.memory_space<semaphore_mem>>)
    %dma_start3A_208 = arith.constant 20 : i32
    %dma_start3A_209 = arith.constant 20 : i32
    %dma_start3A_210 = arith.constant 0 : i32
    %dma_start3A_211 = tpu.memref_slice %arg7[%dma_start3A_208, %dma_start3A_210] : memref<32x128xi32, #tpu.memory_space<vmem>> -> memref<1x128xi32, #tpu.memory_space<vmem>>
    %dma_start3A_212 = tpu.memref_squeeze %dma_start3A_211 : memref<1x128xi32, #tpu.memory_space<vmem>> -> memref<128xi32, #tpu.memory_space<vmem>>
    %dma_start3A_213 = arith.constant 0 : i32
    %dma_start3A_214 = tpu.memref_slice %arg6[%dma_start3A_209, %dma_start3A_213] : memref<32x128xi32, #tpu.memory_space<vmem>> -> memref<1x128xi32, #tpu.memory_space<vmem>>
    %dma_start3A_215 = tpu.memref_squeeze %dma_start3A_214 : memref<1x128xi32, #tpu.memory_space<vmem>> -> memref<128xi32, #tpu.memory_space<vmem>>
    %dma_start3A_216 = arith.constant 0 : i32
    %dma_start3A_217 = tpu.memref_slice %arg12[%dma_start3A_216] : memref<65536xi32, #tpu.memory_space<vmem_shared>> -> memref<65536xi32, #tpu.memory_space<vmem_shared>>
    tpu.enqueue_indirect_dma source(%dma_start3A_212 : memref<128xi32, #tpu.memory_space<vmem>>) target(%dma_start3A_217 : memref<65536xi32, #tpu.memory_space<vmem_shared>>) offsets(%dma_start3A_215 : memref<128xi32, #tpu.memory_space<vmem>>) semaphore(%arg13 : memref<!tpu.dma_semaphore, #tpu.memory_space<semaphore_mem>>)
    %dma_start3A_218 = arith.constant 21 : i32
    %dma_start3A_219 = arith.constant 21 : i32
    %dma_start3A_220 = arith.constant 0 : i32
    %dma_start3A_221 = tpu.memref_slice %arg7[%dma_start3A_218, %dma_start3A_220] : memref<32x128xi32, #tpu.memory_space<vmem>> -> memref<1x128xi32, #tpu.memory_space<vmem>>
    %dma_start3A_222 = tpu.memref_squeeze %dma_start3A_221 : memref<1x128xi32, #tpu.memory_space<vmem>> -> memref<128xi32, #tpu.memory_space<vmem>>
    %dma_start3A_223 = arith.constant 0 : i32
    %dma_start3A_224 = tpu.memref_slice %arg6[%dma_start3A_219, %dma_start3A_223] : memref<32x128xi32, #tpu.memory_space<vmem>> -> memref<1x128xi32, #tpu.memory_space<vmem>>
    %dma_start3A_225 = tpu.memref_squeeze %dma_start3A_224 : memref<1x128xi32, #tpu.memory_space<vmem>> -> memref<128xi32, #tpu.memory_space<vmem>>
    %dma_start3A_226 = arith.constant 0 : i32
    %dma_start3A_227 = tpu.memref_slice %arg12[%dma_start3A_226] : memref<65536xi32, #tpu.memory_space<vmem_shared>> -> memref<65536xi32, #tpu.memory_space<vmem_shared>>
    tpu.enqueue_indirect_dma source(%dma_start3A_222 : memref<128xi32, #tpu.memory_space<vmem>>) target(%dma_start3A_227 : memref<65536xi32, #tpu.memory_space<vmem_shared>>) offsets(%dma_start3A_225 : memref<128xi32, #tpu.memory_space<vmem>>) semaphore(%arg13 : memref<!tpu.dma_semaphore, #tpu.memory_space<semaphore_mem>>)
    %dma_start3A_228 = arith.constant 22 : i32
    %dma_start3A_229 = arith.constant 22 : i32
    %dma_start3A_230 = arith.constant 0 : i32
    %dma_start3A_231 = tpu.memref_slice %arg7[%dma_start3A_228, %dma_start3A_230] : memref<32x128xi32, #tpu.memory_space<vmem>> -> memref<1x128xi32, #tpu.memory_space<vmem>>
    %dma_start3A_232 = tpu.memref_squeeze %dma_start3A_231 : memref<1x128xi32, #tpu.memory_space<vmem>> -> memref<128xi32, #tpu.memory_space<vmem>>
    %dma_start3A_233 = arith.constant 0 : i32
    %dma_start3A_234 = tpu.memref_slice %arg6[%dma_start3A_229, %dma_start3A_233] : memref<32x128xi32, #tpu.memory_space<vmem>> -> memref<1x128xi32, #tpu.memory_space<vmem>>
    %dma_start3A_235 = tpu.memref_squeeze %dma_start3A_234 : memref<1x128xi32, #tpu.memory_space<vmem>> -> memref<128xi32, #tpu.memory_space<vmem>>
    %dma_start3A_236 = arith.constant 0 : i32
    %dma_start3A_237 = tpu.memref_slice %arg12[%dma_start3A_236] : memref<65536xi32, #tpu.memory_space<vmem_shared>> -> memref<65536xi32, #tpu.memory_space<vmem_shared>>
    tpu.enqueue_indirect_dma source(%dma_start3A_232 : memref<128xi32, #tpu.memory_space<vmem>>) target(%dma_start3A_237 : memref<65536xi32, #tpu.memory_space<vmem_shared>>) offsets(%dma_start3A_235 : memref<128xi32, #tpu.memory_space<vmem>>) semaphore(%arg13 : memref<!tpu.dma_semaphore, #tpu.memory_space<semaphore_mem>>)
    %dma_start3A_238 = arith.constant 23 : i32
    %dma_start3A_239 = arith.constant 23 : i32
    %dma_start3A_240 = arith.constant 0 : i32
    %dma_start3A_241 = tpu.memref_slice %arg7[%dma_start3A_238, %dma_start3A_240] : memref<32x128xi32, #tpu.memory_space<vmem>> -> memref<1x128xi32, #tpu.memory_space<vmem>>
    %dma_start3A_242 = tpu.memref_squeeze %dma_start3A_241 : memref<1x128xi32, #tpu.memory_space<vmem>> -> memref<128xi32, #tpu.memory_space<vmem>>
    %dma_start3A_243 = arith.constant 0 : i32
    %dma_start3A_244 = tpu.memref_slice %arg6[%dma_start3A_239, %dma_start3A_243] : memref<32x128xi32, #tpu.memory_space<vmem>> -> memref<1x128xi32, #tpu.memory_space<vmem>>
    %dma_start3A_245 = tpu.memref_squeeze %dma_start3A_244 : memref<1x128xi32, #tpu.memory_space<vmem>> -> memref<128xi32, #tpu.memory_space<vmem>>
    %dma_start3A_246 = arith.constant 0 : i32
    %dma_start3A_247 = tpu.memref_slice %arg12[%dma_start3A_246] : memref<65536xi32, #tpu.memory_space<vmem_shared>> -> memref<65536xi32, #tpu.memory_space<vmem_shared>>
    tpu.enqueue_indirect_dma source(%dma_start3A_242 : memref<128xi32, #tpu.memory_space<vmem>>) target(%dma_start3A_247 : memref<65536xi32, #tpu.memory_space<vmem_shared>>) offsets(%dma_start3A_245 : memref<128xi32, #tpu.memory_space<vmem>>) semaphore(%arg13 : memref<!tpu.dma_semaphore, #tpu.memory_space<semaphore_mem>>)
    %dma_start3A_248 = arith.constant 24 : i32
    %dma_start3A_249 = arith.constant 24 : i32
    %dma_start3A_250 = arith.constant 0 : i32
    %dma_start3A_251 = tpu.memref_slice %arg7[%dma_start3A_248, %dma_start3A_250] : memref<32x128xi32, #tpu.memory_space<vmem>> -> memref<1x128xi32, #tpu.memory_space<vmem>>
    %dma_start3A_252 = tpu.memref_squeeze %dma_start3A_251 : memref<1x128xi32, #tpu.memory_space<vmem>> -> memref<128xi32, #tpu.memory_space<vmem>>
    %dma_start3A_253 = arith.constant 0 : i32
    %dma_start3A_254 = tpu.memref_slice %arg6[%dma_start3A_249, %dma_start3A_253] : memref<32x128xi32, #tpu.memory_space<vmem>> -> memref<1x128xi32, #tpu.memory_space<vmem>>
    %dma_start3A_255 = tpu.memref_squeeze %dma_start3A_254 : memref<1x128xi32, #tpu.memory_space<vmem>> -> memref<128xi32, #tpu.memory_space<vmem>>
    %dma_start3A_256 = arith.constant 0 : i32
    %dma_start3A_257 = tpu.memref_slice %arg12[%dma_start3A_256] : memref<65536xi32, #tpu.memory_space<vmem_shared>> -> memref<65536xi32, #tpu.memory_space<vmem_shared>>
    tpu.enqueue_indirect_dma source(%dma_start3A_252 : memref<128xi32, #tpu.memory_space<vmem>>) target(%dma_start3A_257 : memref<65536xi32, #tpu.memory_space<vmem_shared>>) offsets(%dma_start3A_255 : memref<128xi32, #tpu.memory_space<vmem>>) semaphore(%arg13 : memref<!tpu.dma_semaphore, #tpu.memory_space<semaphore_mem>>)
    %dma_start3A_258 = arith.constant 25 : i32
    %dma_start3A_259 = arith.constant 25 : i32
    %dma_start3A_260 = arith.constant 0 : i32
    %dma_start3A_261 = tpu.memref_slice %arg7[%dma_start3A_258, %dma_start3A_260] : memref<32x128xi32, #tpu.memory_space<vmem>> -> memref<1x128xi32, #tpu.memory_space<vmem>>
    %dma_start3A_262 = tpu.memref_squeeze %dma_start3A_261 : memref<1x128xi32, #tpu.memory_space<vmem>> -> memref<128xi32, #tpu.memory_space<vmem>>
    %dma_start3A_263 = arith.constant 0 : i32
    %dma_start3A_264 = tpu.memref_slice %arg6[%dma_start3A_259, %dma_start3A_263] : memref<32x128xi32, #tpu.memory_space<vmem>> -> memref<1x128xi32, #tpu.memory_space<vmem>>
    %dma_start3A_265 = tpu.memref_squeeze %dma_start3A_264 : memref<1x128xi32, #tpu.memory_space<vmem>> -> memref<128xi32, #tpu.memory_space<vmem>>
    %dma_start3A_266 = arith.constant 0 : i32
    %dma_start3A_267 = tpu.memref_slice %arg12[%dma_start3A_266] : memref<65536xi32, #tpu.memory_space<vmem_shared>> -> memref<65536xi32, #tpu.memory_space<vmem_shared>>
    tpu.enqueue_indirect_dma source(%dma_start3A_262 : memref<128xi32, #tpu.memory_space<vmem>>) target(%dma_start3A_267 : memref<65536xi32, #tpu.memory_space<vmem_shared>>) offsets(%dma_start3A_265 : memref<128xi32, #tpu.memory_space<vmem>>) semaphore(%arg13 : memref<!tpu.dma_semaphore, #tpu.memory_space<semaphore_mem>>)
    %dma_start3A_268 = arith.constant 26 : i32
    %dma_start3A_269 = arith.constant 26 : i32
    %dma_start3A_270 = arith.constant 0 : i32
    %dma_start3A_271 = tpu.memref_slice %arg7[%dma_start3A_268, %dma_start3A_270] : memref<32x128xi32, #tpu.memory_space<vmem>> -> memref<1x128xi32, #tpu.memory_space<vmem>>
    %dma_start3A_272 = tpu.memref_squeeze %dma_start3A_271 : memref<1x128xi32, #tpu.memory_space<vmem>> -> memref<128xi32, #tpu.memory_space<vmem>>
    %dma_start3A_273 = arith.constant 0 : i32
    %dma_start3A_274 = tpu.memref_slice %arg6[%dma_start3A_269, %dma_start3A_273] : memref<32x128xi32, #tpu.memory_space<vmem>> -> memref<1x128xi32, #tpu.memory_space<vmem>>
    %dma_start3A_275 = tpu.memref_squeeze %dma_start3A_274 : memref<1x128xi32, #tpu.memory_space<vmem>> -> memref<128xi32, #tpu.memory_space<vmem>>
    %dma_start3A_276 = arith.constant 0 : i32
    %dma_start3A_277 = tpu.memref_slice %arg12[%dma_start3A_276] : memref<65536xi32, #tpu.memory_space<vmem_shared>> -> memref<65536xi32, #tpu.memory_space<vmem_shared>>
    tpu.enqueue_indirect_dma source(%dma_start3A_272 : memref<128xi32, #tpu.memory_space<vmem>>) target(%dma_start3A_277 : memref<65536xi32, #tpu.memory_space<vmem_shared>>) offsets(%dma_start3A_275 : memref<128xi32, #tpu.memory_space<vmem>>) semaphore(%arg13 : memref<!tpu.dma_semaphore, #tpu.memory_space<semaphore_mem>>)
    %dma_start3A_278 = arith.constant 27 : i32
    %dma_start3A_279 = arith.constant 27 : i32
    %dma_start3A_280 = arith.constant 0 : i32
    %dma_start3A_281 = tpu.memref_slice %arg7[%dma_start3A_278, %dma_start3A_280] : memref<32x128xi32, #tpu.memory_space<vmem>> -> memref<1x128xi32, #tpu.memory_space<vmem>>
    %dma_start3A_282 = tpu.memref_squeeze %dma_start3A_281 : memref<1x128xi32, #tpu.memory_space<vmem>> -> memref<128xi32, #tpu.memory_space<vmem>>
    %dma_start3A_283 = arith.constant 0 : i32
    %dma_start3A_284 = tpu.memref_slice %arg6[%dma_start3A_279, %dma_start3A_283] : memref<32x128xi32, #tpu.memory_space<vmem>> -> memref<1x128xi32, #tpu.memory_space<vmem>>
    %dma_start3A_285 = tpu.memref_squeeze %dma_start3A_284 : memref<1x128xi32, #tpu.memory_space<vmem>> -> memref<128xi32, #tpu.memory_space<vmem>>
    %dma_start3A_286 = arith.constant 0 : i32
    %dma_start3A_287 = tpu.memref_slice %arg12[%dma_start3A_286] : memref<65536xi32, #tpu.memory_space<vmem_shared>> -> memref<65536xi32, #tpu.memory_space<vmem_shared>>
    tpu.enqueue_indirect_dma source(%dma_start3A_282 : memref<128xi32, #tpu.memory_space<vmem>>) target(%dma_start3A_287 : memref<65536xi32, #tpu.memory_space<vmem_shared>>) offsets(%dma_start3A_285 : memref<128xi32, #tpu.memory_space<vmem>>) semaphore(%arg13 : memref<!tpu.dma_semaphore, #tpu.memory_space<semaphore_mem>>)
    %dma_start3A_288 = arith.constant 28 : i32
    %dma_start3A_289 = arith.constant 28 : i32
    %dma_start3A_290 = arith.constant 0 : i32
    %dma_start3A_291 = tpu.memref_slice %arg7[%dma_start3A_288, %dma_start3A_290] : memref<32x128xi32, #tpu.memory_space<vmem>> -> memref<1x128xi32, #tpu.memory_space<vmem>>
    %dma_start3A_292 = tpu.memref_squeeze %dma_start3A_291 : memref<1x128xi32, #tpu.memory_space<vmem>> -> memref<128xi32, #tpu.memory_space<vmem>>
    %dma_start3A_293 = arith.constant 0 : i32
    %dma_start3A_294 = tpu.memref_slice %arg6[%dma_start3A_289, %dma_start3A_293] : memref<32x128xi32, #tpu.memory_space<vmem>> -> memref<1x128xi32, #tpu.memory_space<vmem>>
    %dma_start3A_295 = tpu.memref_squeeze %dma_start3A_294 : memref<1x128xi32, #tpu.memory_space<vmem>> -> memref<128xi32, #tpu.memory_space<vmem>>
    %dma_start3A_296 = arith.constant 0 : i32
    %dma_start3A_297 = tpu.memref_slice %arg12[%dma_start3A_296] : memref<65536xi32, #tpu.memory_space<vmem_shared>> -> memref<65536xi32, #tpu.memory_space<vmem_shared>>
    tpu.enqueue_indirect_dma source(%dma_start3A_292 : memref<128xi32, #tpu.memory_space<vmem>>) target(%dma_start3A_297 : memref<65536xi32, #tpu.memory_space<vmem_shared>>) offsets(%dma_start3A_295 : memref<128xi32, #tpu.memory_space<vmem>>) semaphore(%arg13 : memref<!tpu.dma_semaphore, #tpu.memory_space<semaphore_mem>>)
    %dma_start3A_298 = arith.constant 29 : i32
    %dma_start3A_299 = arith.constant 29 : i32
    %dma_start3A_300 = arith.constant 0 : i32
    %dma_start3A_301 = tpu.memref_slice %arg7[%dma_start3A_298, %dma_start3A_300] : memref<32x128xi32, #tpu.memory_space<vmem>> -> memref<1x128xi32, #tpu.memory_space<vmem>>
    %dma_start3A_302 = tpu.memref_squeeze %dma_start3A_301 : memref<1x128xi32, #tpu.memory_space<vmem>> -> memref<128xi32, #tpu.memory_space<vmem>>
    %dma_start3A_303 = arith.constant 0 : i32
    %dma_start3A_304 = tpu.memref_slice %arg6[%dma_start3A_299, %dma_start3A_303] : memref<32x128xi32, #tpu.memory_space<vmem>> -> memref<1x128xi32, #tpu.memory_space<vmem>>
    %dma_start3A_305 = tpu.memref_squeeze %dma_start3A_304 : memref<1x128xi32, #tpu.memory_space<vmem>> -> memref<128xi32, #tpu.memory_space<vmem>>
    %dma_start3A_306 = arith.constant 0 : i32
    %dma_start3A_307 = tpu.memref_slice %arg12[%dma_start3A_306] : memref<65536xi32, #tpu.memory_space<vmem_shared>> -> memref<65536xi32, #tpu.memory_space<vmem_shared>>
    tpu.enqueue_indirect_dma source(%dma_start3A_302 : memref<128xi32, #tpu.memory_space<vmem>>) target(%dma_start3A_307 : memref<65536xi32, #tpu.memory_space<vmem_shared>>) offsets(%dma_start3A_305 : memref<128xi32, #tpu.memory_space<vmem>>) semaphore(%arg13 : memref<!tpu.dma_semaphore, #tpu.memory_space<semaphore_mem>>)
    %dma_start3A_308 = arith.constant 30 : i32
    %dma_start3A_309 = arith.constant 30 : i32
    %dma_start3A_310 = arith.constant 0 : i32
    %dma_start3A_311 = tpu.memref_slice %arg7[%dma_start3A_308, %dma_start3A_310] : memref<32x128xi32, #tpu.memory_space<vmem>> -> memref<1x128xi32, #tpu.memory_space<vmem>>
    %dma_start3A_312 = tpu.memref_squeeze %dma_start3A_311 : memref<1x128xi32, #tpu.memory_space<vmem>> -> memref<128xi32, #tpu.memory_space<vmem>>
    %dma_start3A_313 = arith.constant 0 : i32
    %dma_start3A_314 = tpu.memref_slice %arg6[%dma_start3A_309, %dma_start3A_313] : memref<32x128xi32, #tpu.memory_space<vmem>> -> memref<1x128xi32, #tpu.memory_space<vmem>>
    %dma_start3A_315 = tpu.memref_squeeze %dma_start3A_314 : memref<1x128xi32, #tpu.memory_space<vmem>> -> memref<128xi32, #tpu.memory_space<vmem>>
    %dma_start3A_316 = arith.constant 0 : i32
    %dma_start3A_317 = tpu.memref_slice %arg12[%dma_start3A_316] : memref<65536xi32, #tpu.memory_space<vmem_shared>> -> memref<65536xi32, #tpu.memory_space<vmem_shared>>
    tpu.enqueue_indirect_dma source(%dma_start3A_312 : memref<128xi32, #tpu.memory_space<vmem>>) target(%dma_start3A_317 : memref<65536xi32, #tpu.memory_space<vmem_shared>>) offsets(%dma_start3A_315 : memref<128xi32, #tpu.memory_space<vmem>>) semaphore(%arg13 : memref<!tpu.dma_semaphore, #tpu.memory_space<semaphore_mem>>)
    %dma_start3A_318 = arith.constant 31 : i32
    %dma_start3A_319 = arith.constant 31 : i32
    %dma_start3A_320 = arith.constant 0 : i32
    %dma_start3A_321 = tpu.memref_slice %arg7[%dma_start3A_318, %dma_start3A_320] : memref<32x128xi32, #tpu.memory_space<vmem>> -> memref<1x128xi32, #tpu.memory_space<vmem>>
    %dma_start3A_322 = tpu.memref_squeeze %dma_start3A_321 : memref<1x128xi32, #tpu.memory_space<vmem>> -> memref<128xi32, #tpu.memory_space<vmem>>
    %dma_start3A_323 = arith.constant 0 : i32
    %dma_start3A_324 = tpu.memref_slice %arg6[%dma_start3A_319, %dma_start3A_323] : memref<32x128xi32, #tpu.memory_space<vmem>> -> memref<1x128xi32, #tpu.memory_space<vmem>>
    %dma_start3A_325 = tpu.memref_squeeze %dma_start3A_324 : memref<1x128xi32, #tpu.memory_space<vmem>> -> memref<128xi32, #tpu.memory_space<vmem>>
    %dma_start3A_326 = arith.constant 0 : i32
    %dma_start3A_327 = tpu.memref_slice %arg12[%dma_start3A_326] : memref<65536xi32, #tpu.memory_space<vmem_shared>> -> memref<65536xi32, #tpu.memory_space<vmem_shared>>
    tpu.enqueue_indirect_dma source(%dma_start3A_322 : memref<128xi32, #tpu.memory_space<vmem>>) target(%dma_start3A_327 : memref<65536xi32, #tpu.memory_space<vmem_shared>>) offsets(%dma_start3A_325 : memref<128xi32, #tpu.memory_space<vmem>>) semaphore(%arg13 : memref<!tpu.dma_semaphore, #tpu.memory_space<semaphore_mem>>)
    %dma_wait3A = arith.constant 0 : i32
    %dma_wait3A_328 = arith.constant 0 : i32
    %dma_wait3A_329 = arith.constant 0 : i32
    %dma_wait3A_330 = tpu.memref_slice %arg7[%dma_wait3A, %dma_wait3A_329] : memref<32x128xi32, #tpu.memory_space<vmem>> -> memref<1x128xi32, #tpu.memory_space<vmem>>
    %dma_wait3A_331 = tpu.memref_squeeze %dma_wait3A_330 : memref<1x128xi32, #tpu.memory_space<vmem>> -> memref<128xi32, #tpu.memory_space<vmem>>
    %dma_wait3A_332 = arith.constant 0 : i32
    %dma_wait3A_333 = tpu.memref_slice %arg6[%dma_wait3A_328, %dma_wait3A_332] : memref<32x128xi32, #tpu.memory_space<vmem>> -> memref<1x128xi32, #tpu.memory_space<vmem>>
    %dma_wait3A_334 = tpu.memref_squeeze %dma_wait3A_333 : memref<1x128xi32, #tpu.memory_space<vmem>> -> memref<128xi32, #tpu.memory_space<vmem>>
    %dma_wait3A_335 = arith.constant 0 : i32
    %dma_wait3A_336 = tpu.memref_slice %arg12[%dma_wait3A_335] : memref<65536xi32, #tpu.memory_space<vmem_shared>> -> memref<65536xi32, #tpu.memory_space<vmem_shared>>
    tpu.wait_indirect_dma semaphore(%arg13 : memref<!tpu.dma_semaphore, #tpu.memory_space<semaphore_mem>>) src(%dma_wait3A_331 : memref<128xi32, #tpu.memory_space<vmem>>) dst(%dma_wait3A_336 : memref<65536xi32, #tpu.memory_space<vmem_shared>>)
    %dma_wait3A_337 = arith.constant 1 : i32
    %dma_wait3A_338 = arith.constant 1 : i32
    %dma_wait3A_339 = arith.constant 0 : i32
    %dma_wait3A_340 = tpu.memref_slice %arg7[%dma_wait3A_337, %dma_wait3A_339] : memref<32x128xi32, #tpu.memory_space<vmem>> -> memref<1x128xi32, #tpu.memory_space<vmem>>
    %dma_wait3A_341 = tpu.memref_squeeze %dma_wait3A_340 : memref<1x128xi32, #tpu.memory_space<vmem>> -> memref<128xi32, #tpu.memory_space<vmem>>
    %dma_wait3A_342 = arith.constant 0 : i32
    %dma_wait3A_343 = tpu.memref_slice %arg6[%dma_wait3A_338, %dma_wait3A_342] : memref<32x128xi32, #tpu.memory_space<vmem>> -> memref<1x128xi32, #tpu.memory_space<vmem>>
    %dma_wait3A_344 = tpu.memref_squeeze %dma_wait3A_343 : memref<1x128xi32, #tpu.memory_space<vmem>> -> memref<128xi32, #tpu.memory_space<vmem>>
    %dma_wait3A_345 = arith.constant 0 : i32
    %dma_wait3A_346 = tpu.memref_slice %arg12[%dma_wait3A_345] : memref<65536xi32, #tpu.memory_space<vmem_shared>> -> memref<65536xi32, #tpu.memory_space<vmem_shared>>
    tpu.wait_indirect_dma semaphore(%arg13 : memref<!tpu.dma_semaphore, #tpu.memory_space<semaphore_mem>>) src(%dma_wait3A_341 : memref<128xi32, #tpu.memory_space<vmem>>) dst(%dma_wait3A_346 : memref<65536xi32, #tpu.memory_space<vmem_shared>>)
    %dma_wait3A_347 = arith.constant 2 : i32
    %dma_wait3A_348 = arith.constant 2 : i32
    %dma_wait3A_349 = arith.constant 0 : i32
    %dma_wait3A_350 = tpu.memref_slice %arg7[%dma_wait3A_347, %dma_wait3A_349] : memref<32x128xi32, #tpu.memory_space<vmem>> -> memref<1x128xi32, #tpu.memory_space<vmem>>
    %dma_wait3A_351 = tpu.memref_squeeze %dma_wait3A_350 : memref<1x128xi32, #tpu.memory_space<vmem>> -> memref<128xi32, #tpu.memory_space<vmem>>
    %dma_wait3A_352 = arith.constant 0 : i32
    %dma_wait3A_353 = tpu.memref_slice %arg6[%dma_wait3A_348, %dma_wait3A_352] : memref<32x128xi32, #tpu.memory_space<vmem>> -> memref<1x128xi32, #tpu.memory_space<vmem>>
    %dma_wait3A_354 = tpu.memref_squeeze %dma_wait3A_353 : memref<1x128xi32, #tpu.memory_space<vmem>> -> memref<128xi32, #tpu.memory_space<vmem>>
    %dma_wait3A_355 = arith.constant 0 : i32
    %dma_wait3A_356 = tpu.memref_slice %arg12[%dma_wait3A_355] : memref<65536xi32, #tpu.memory_space<vmem_shared>> -> memref<65536xi32, #tpu.memory_space<vmem_shared>>
    tpu.wait_indirect_dma semaphore(%arg13 : memref<!tpu.dma_semaphore, #tpu.memory_space<semaphore_mem>>) src(%dma_wait3A_351 : memref<128xi32, #tpu.memory_space<vmem>>) dst(%dma_wait3A_356 : memref<65536xi32, #tpu.memory_space<vmem_shared>>)
    %dma_wait3A_357 = arith.constant 3 : i32
    %dma_wait3A_358 = arith.constant 3 : i32
    %dma_wait3A_359 = arith.constant 0 : i32
    %dma_wait3A_360 = tpu.memref_slice %arg7[%dma_wait3A_357, %dma_wait3A_359] : memref<32x128xi32, #tpu.memory_space<vmem>> -> memref<1x128xi32, #tpu.memory_space<vmem>>
    %dma_wait3A_361 = tpu.memref_squeeze %dma_wait3A_360 : memref<1x128xi32, #tpu.memory_space<vmem>> -> memref<128xi32, #tpu.memory_space<vmem>>
    %dma_wait3A_362 = arith.constant 0 : i32
    %dma_wait3A_363 = tpu.memref_slice %arg6[%dma_wait3A_358, %dma_wait3A_362] : memref<32x128xi32, #tpu.memory_space<vmem>> -> memref<1x128xi32, #tpu.memory_space<vmem>>
    %dma_wait3A_364 = tpu.memref_squeeze %dma_wait3A_363 : memref<1x128xi32, #tpu.memory_space<vmem>> -> memref<128xi32, #tpu.memory_space<vmem>>
    %dma_wait3A_365 = arith.constant 0 : i32
    %dma_wait3A_366 = tpu.memref_slice %arg12[%dma_wait3A_365] : memref<65536xi32, #tpu.memory_space<vmem_shared>> -> memref<65536xi32, #tpu.memory_space<vmem_shared>>
    tpu.wait_indirect_dma semaphore(%arg13 : memref<!tpu.dma_semaphore, #tpu.memory_space<semaphore_mem>>) src(%dma_wait3A_361 : memref<128xi32, #tpu.memory_space<vmem>>) dst(%dma_wait3A_366 : memref<65536xi32, #tpu.memory_space<vmem_shared>>)
    %dma_wait3A_367 = arith.constant 4 : i32
    %dma_wait3A_368 = arith.constant 4 : i32
    %dma_wait3A_369 = arith.constant 0 : i32
    %dma_wait3A_370 = tpu.memref_slice %arg7[%dma_wait3A_367, %dma_wait3A_369] : memref<32x128xi32, #tpu.memory_space<vmem>> -> memref<1x128xi32, #tpu.memory_space<vmem>>
    %dma_wait3A_371 = tpu.memref_squeeze %dma_wait3A_370 : memref<1x128xi32, #tpu.memory_space<vmem>> -> memref<128xi32, #tpu.memory_space<vmem>>
    %dma_wait3A_372 = arith.constant 0 : i32
    %dma_wait3A_373 = tpu.memref_slice %arg6[%dma_wait3A_368, %dma_wait3A_372] : memref<32x128xi32, #tpu.memory_space<vmem>> -> memref<1x128xi32, #tpu.memory_space<vmem>>
    %dma_wait3A_374 = tpu.memref_squeeze %dma_wait3A_373 : memref<1x128xi32, #tpu.memory_space<vmem>> -> memref<128xi32, #tpu.memory_space<vmem>>
    %dma_wait3A_375 = arith.constant 0 : i32
    %dma_wait3A_376 = tpu.memref_slice %arg12[%dma_wait3A_375] : memref<65536xi32, #tpu.memory_space<vmem_shared>> -> memref<65536xi32, #tpu.memory_space<vmem_shared>>
    tpu.wait_indirect_dma semaphore(%arg13 : memref<!tpu.dma_semaphore, #tpu.memory_space<semaphore_mem>>) src(%dma_wait3A_371 : memref<128xi32, #tpu.memory_space<vmem>>) dst(%dma_wait3A_376 : memref<65536xi32, #tpu.memory_space<vmem_shared>>)
    %dma_wait3A_377 = arith.constant 5 : i32
    %dma_wait3A_378 = arith.constant 5 : i32
    %dma_wait3A_379 = arith.constant 0 : i32
    %dma_wait3A_380 = tpu.memref_slice %arg7[%dma_wait3A_377, %dma_wait3A_379] : memref<32x128xi32, #tpu.memory_space<vmem>> -> memref<1x128xi32, #tpu.memory_space<vmem>>
    %dma_wait3A_381 = tpu.memref_squeeze %dma_wait3A_380 : memref<1x128xi32, #tpu.memory_space<vmem>> -> memref<128xi32, #tpu.memory_space<vmem>>
    %dma_wait3A_382 = arith.constant 0 : i32
    %dma_wait3A_383 = tpu.memref_slice %arg6[%dma_wait3A_378, %dma_wait3A_382] : memref<32x128xi32, #tpu.memory_space<vmem>> -> memref<1x128xi32, #tpu.memory_space<vmem>>
    %dma_wait3A_384 = tpu.memref_squeeze %dma_wait3A_383 : memref<1x128xi32, #tpu.memory_space<vmem>> -> memref<128xi32, #tpu.memory_space<vmem>>
    %dma_wait3A_385 = arith.constant 0 : i32
    %dma_wait3A_386 = tpu.memref_slice %arg12[%dma_wait3A_385] : memref<65536xi32, #tpu.memory_space<vmem_shared>> -> memref<65536xi32, #tpu.memory_space<vmem_shared>>
    tpu.wait_indirect_dma semaphore(%arg13 : memref<!tpu.dma_semaphore, #tpu.memory_space<semaphore_mem>>) src(%dma_wait3A_381 : memref<128xi32, #tpu.memory_space<vmem>>) dst(%dma_wait3A_386 : memref<65536xi32, #tpu.memory_space<vmem_shared>>)
    %dma_wait3A_387 = arith.constant 6 : i32
    %dma_wait3A_388 = arith.constant 6 : i32
    %dma_wait3A_389 = arith.constant 0 : i32
    %dma_wait3A_390 = tpu.memref_slice %arg7[%dma_wait3A_387, %dma_wait3A_389] : memref<32x128xi32, #tpu.memory_space<vmem>> -> memref<1x128xi32, #tpu.memory_space<vmem>>
    %dma_wait3A_391 = tpu.memref_squeeze %dma_wait3A_390 : memref<1x128xi32, #tpu.memory_space<vmem>> -> memref<128xi32, #tpu.memory_space<vmem>>
    %dma_wait3A_392 = arith.constant 0 : i32
    %dma_wait3A_393 = tpu.memref_slice %arg6[%dma_wait3A_388, %dma_wait3A_392] : memref<32x128xi32, #tpu.memory_space<vmem>> -> memref<1x128xi32, #tpu.memory_space<vmem>>
    %dma_wait3A_394 = tpu.memref_squeeze %dma_wait3A_393 : memref<1x128xi32, #tpu.memory_space<vmem>> -> memref<128xi32, #tpu.memory_space<vmem>>
    %dma_wait3A_395 = arith.constant 0 : i32
    %dma_wait3A_396 = tpu.memref_slice %arg12[%dma_wait3A_395] : memref<65536xi32, #tpu.memory_space<vmem_shared>> -> memref<65536xi32, #tpu.memory_space<vmem_shared>>
    tpu.wait_indirect_dma semaphore(%arg13 : memref<!tpu.dma_semaphore, #tpu.memory_space<semaphore_mem>>) src(%dma_wait3A_391 : memref<128xi32, #tpu.memory_space<vmem>>) dst(%dma_wait3A_396 : memref<65536xi32, #tpu.memory_space<vmem_shared>>)
    %dma_wait3A_397 = arith.constant 7 : i32
    %dma_wait3A_398 = arith.constant 7 : i32
    %dma_wait3A_399 = arith.constant 0 : i32
    %dma_wait3A_400 = tpu.memref_slice %arg7[%dma_wait3A_397, %dma_wait3A_399] : memref<32x128xi32, #tpu.memory_space<vmem>> -> memref<1x128xi32, #tpu.memory_space<vmem>>
    %dma_wait3A_401 = tpu.memref_squeeze %dma_wait3A_400 : memref<1x128xi32, #tpu.memory_space<vmem>> -> memref<128xi32, #tpu.memory_space<vmem>>
    %dma_wait3A_402 = arith.constant 0 : i32
    %dma_wait3A_403 = tpu.memref_slice %arg6[%dma_wait3A_398, %dma_wait3A_402] : memref<32x128xi32, #tpu.memory_space<vmem>> -> memref<1x128xi32, #tpu.memory_space<vmem>>
    %dma_wait3A_404 = tpu.memref_squeeze %dma_wait3A_403 : memref<1x128xi32, #tpu.memory_space<vmem>> -> memref<128xi32, #tpu.memory_space<vmem>>
    %dma_wait3A_405 = arith.constant 0 : i32
    %dma_wait3A_406 = tpu.memref_slice %arg12[%dma_wait3A_405] : memref<65536xi32, #tpu.memory_space<vmem_shared>> -> memref<65536xi32, #tpu.memory_space<vmem_shared>>
    tpu.wait_indirect_dma semaphore(%arg13 : memref<!tpu.dma_semaphore, #tpu.memory_space<semaphore_mem>>) src(%dma_wait3A_401 : memref<128xi32, #tpu.memory_space<vmem>>) dst(%dma_wait3A_406 : memref<65536xi32, #tpu.memory_space<vmem_shared>>)
    %dma_wait3A_407 = arith.constant 8 : i32
    %dma_wait3A_408 = arith.constant 8 : i32
    %dma_wait3A_409 = arith.constant 0 : i32
    %dma_wait3A_410 = tpu.memref_slice %arg7[%dma_wait3A_407, %dma_wait3A_409] : memref<32x128xi32, #tpu.memory_space<vmem>> -> memref<1x128xi32, #tpu.memory_space<vmem>>
    %dma_wait3A_411 = tpu.memref_squeeze %dma_wait3A_410 : memref<1x128xi32, #tpu.memory_space<vmem>> -> memref<128xi32, #tpu.memory_space<vmem>>
    %dma_wait3A_412 = arith.constant 0 : i32
    %dma_wait3A_413 = tpu.memref_slice %arg6[%dma_wait3A_408, %dma_wait3A_412] : memref<32x128xi32, #tpu.memory_space<vmem>> -> memref<1x128xi32, #tpu.memory_space<vmem>>
    %dma_wait3A_414 = tpu.memref_squeeze %dma_wait3A_413 : memref<1x128xi32, #tpu.memory_space<vmem>> -> memref<128xi32, #tpu.memory_space<vmem>>
    %dma_wait3A_415 = arith.constant 0 : i32
    %dma_wait3A_416 = tpu.memref_slice %arg12[%dma_wait3A_415] : memref<65536xi32, #tpu.memory_space<vmem_shared>> -> memref<65536xi32, #tpu.memory_space<vmem_shared>>
    tpu.wait_indirect_dma semaphore(%arg13 : memref<!tpu.dma_semaphore, #tpu.memory_space<semaphore_mem>>) src(%dma_wait3A_411 : memref<128xi32, #tpu.memory_space<vmem>>) dst(%dma_wait3A_416 : memref<65536xi32, #tpu.memory_space<vmem_shared>>)
    %dma_wait3A_417 = arith.constant 9 : i32
    %dma_wait3A_418 = arith.constant 9 : i32
    %dma_wait3A_419 = arith.constant 0 : i32
    %dma_wait3A_420 = tpu.memref_slice %arg7[%dma_wait3A_417, %dma_wait3A_419] : memref<32x128xi32, #tpu.memory_space<vmem>> -> memref<1x128xi32, #tpu.memory_space<vmem>>
    %dma_wait3A_421 = tpu.memref_squeeze %dma_wait3A_420 : memref<1x128xi32, #tpu.memory_space<vmem>> -> memref<128xi32, #tpu.memory_space<vmem>>
    %dma_wait3A_422 = arith.constant 0 : i32
    %dma_wait3A_423 = tpu.memref_slice %arg6[%dma_wait3A_418, %dma_wait3A_422] : memref<32x128xi32, #tpu.memory_space<vmem>> -> memref<1x128xi32, #tpu.memory_space<vmem>>
    %dma_wait3A_424 = tpu.memref_squeeze %dma_wait3A_423 : memref<1x128xi32, #tpu.memory_space<vmem>> -> memref<128xi32, #tpu.memory_space<vmem>>
    %dma_wait3A_425 = arith.constant 0 : i32
    %dma_wait3A_426 = tpu.memref_slice %arg12[%dma_wait3A_425] : memref<65536xi32, #tpu.memory_space<vmem_shared>> -> memref<65536xi32, #tpu.memory_space<vmem_shared>>
    tpu.wait_indirect_dma semaphore(%arg13 : memref<!tpu.dma_semaphore, #tpu.memory_space<semaphore_mem>>) src(%dma_wait3A_421 : memref<128xi32, #tpu.memory_space<vmem>>) dst(%dma_wait3A_426 : memref<65536xi32, #tpu.memory_space<vmem_shared>>)
    %dma_wait3A_427 = arith.constant 10 : i32
    %dma_wait3A_428 = arith.constant 10 : i32
    %dma_wait3A_429 = arith.constant 0 : i32
    %dma_wait3A_430 = tpu.memref_slice %arg7[%dma_wait3A_427, %dma_wait3A_429] : memref<32x128xi32, #tpu.memory_space<vmem>> -> memref<1x128xi32, #tpu.memory_space<vmem>>
    %dma_wait3A_431 = tpu.memref_squeeze %dma_wait3A_430 : memref<1x128xi32, #tpu.memory_space<vmem>> -> memref<128xi32, #tpu.memory_space<vmem>>
    %dma_wait3A_432 = arith.constant 0 : i32
    %dma_wait3A_433 = tpu.memref_slice %arg6[%dma_wait3A_428, %dma_wait3A_432] : memref<32x128xi32, #tpu.memory_space<vmem>> -> memref<1x128xi32, #tpu.memory_space<vmem>>
    %dma_wait3A_434 = tpu.memref_squeeze %dma_wait3A_433 : memref<1x128xi32, #tpu.memory_space<vmem>> -> memref<128xi32, #tpu.memory_space<vmem>>
    %dma_wait3A_435 = arith.constant 0 : i32
    %dma_wait3A_436 = tpu.memref_slice %arg12[%dma_wait3A_435] : memref<65536xi32, #tpu.memory_space<vmem_shared>> -> memref<65536xi32, #tpu.memory_space<vmem_shared>>
    tpu.wait_indirect_dma semaphore(%arg13 : memref<!tpu.dma_semaphore, #tpu.memory_space<semaphore_mem>>) src(%dma_wait3A_431 : memref<128xi32, #tpu.memory_space<vmem>>) dst(%dma_wait3A_436 : memref<65536xi32, #tpu.memory_space<vmem_shared>>)
    %dma_wait3A_437 = arith.constant 11 : i32
    %dma_wait3A_438 = arith.constant 11 : i32
    %dma_wait3A_439 = arith.constant 0 : i32
    %dma_wait3A_440 = tpu.memref_slice %arg7[%dma_wait3A_437, %dma_wait3A_439] : memref<32x128xi32, #tpu.memory_space<vmem>> -> memref<1x128xi32, #tpu.memory_space<vmem>>
    %dma_wait3A_441 = tpu.memref_squeeze %dma_wait3A_440 : memref<1x128xi32, #tpu.memory_space<vmem>> -> memref<128xi32, #tpu.memory_space<vmem>>
    %dma_wait3A_442 = arith.constant 0 : i32
    %dma_wait3A_443 = tpu.memref_slice %arg6[%dma_wait3A_438, %dma_wait3A_442] : memref<32x128xi32, #tpu.memory_space<vmem>> -> memref<1x128xi32, #tpu.memory_space<vmem>>
    %dma_wait3A_444 = tpu.memref_squeeze %dma_wait3A_443 : memref<1x128xi32, #tpu.memory_space<vmem>> -> memref<128xi32, #tpu.memory_space<vmem>>
    %dma_wait3A_445 = arith.constant 0 : i32
    %dma_wait3A_446 = tpu.memref_slice %arg12[%dma_wait3A_445] : memref<65536xi32, #tpu.memory_space<vmem_shared>> -> memref<65536xi32, #tpu.memory_space<vmem_shared>>
    tpu.wait_indirect_dma semaphore(%arg13 : memref<!tpu.dma_semaphore, #tpu.memory_space<semaphore_mem>>) src(%dma_wait3A_441 : memref<128xi32, #tpu.memory_space<vmem>>) dst(%dma_wait3A_446 : memref<65536xi32, #tpu.memory_space<vmem_shared>>)
    %dma_wait3A_447 = arith.constant 12 : i32
    %dma_wait3A_448 = arith.constant 12 : i32
    %dma_wait3A_449 = arith.constant 0 : i32
    %dma_wait3A_450 = tpu.memref_slice %arg7[%dma_wait3A_447, %dma_wait3A_449] : memref<32x128xi32, #tpu.memory_space<vmem>> -> memref<1x128xi32, #tpu.memory_space<vmem>>
    %dma_wait3A_451 = tpu.memref_squeeze %dma_wait3A_450 : memref<1x128xi32, #tpu.memory_space<vmem>> -> memref<128xi32, #tpu.memory_space<vmem>>
    %dma_wait3A_452 = arith.constant 0 : i32
    %dma_wait3A_453 = tpu.memref_slice %arg6[%dma_wait3A_448, %dma_wait3A_452] : memref<32x128xi32, #tpu.memory_space<vmem>> -> memref<1x128xi32, #tpu.memory_space<vmem>>
    %dma_wait3A_454 = tpu.memref_squeeze %dma_wait3A_453 : memref<1x128xi32, #tpu.memory_space<vmem>> -> memref<128xi32, #tpu.memory_space<vmem>>
    %dma_wait3A_455 = arith.constant 0 : i32
    %dma_wait3A_456 = tpu.memref_slice %arg12[%dma_wait3A_455] : memref<65536xi32, #tpu.memory_space<vmem_shared>> -> memref<65536xi32, #tpu.memory_space<vmem_shared>>
    tpu.wait_indirect_dma semaphore(%arg13 : memref<!tpu.dma_semaphore, #tpu.memory_space<semaphore_mem>>) src(%dma_wait3A_451 : memref<128xi32, #tpu.memory_space<vmem>>) dst(%dma_wait3A_456 : memref<65536xi32, #tpu.memory_space<vmem_shared>>)
    %dma_wait3A_457 = arith.constant 13 : i32
    %dma_wait3A_458 = arith.constant 13 : i32
    %dma_wait3A_459 = arith.constant 0 : i32
    %dma_wait3A_460 = tpu.memref_slice %arg7[%dma_wait3A_457, %dma_wait3A_459] : memref<32x128xi32, #tpu.memory_space<vmem>> -> memref<1x128xi32, #tpu.memory_space<vmem>>
    %dma_wait3A_461 = tpu.memref_squeeze %dma_wait3A_460 : memref<1x128xi32, #tpu.memory_space<vmem>> -> memref<128xi32, #tpu.memory_space<vmem>>
    %dma_wait3A_462 = arith.constant 0 : i32
    %dma_wait3A_463 = tpu.memref_slice %arg6[%dma_wait3A_458, %dma_wait3A_462] : memref<32x128xi32, #tpu.memory_space<vmem>> -> memref<1x128xi32, #tpu.memory_space<vmem>>
    %dma_wait3A_464 = tpu.memref_squeeze %dma_wait3A_463 : memref<1x128xi32, #tpu.memory_space<vmem>> -> memref<128xi32, #tpu.memory_space<vmem>>
    %dma_wait3A_465 = arith.constant 0 : i32
    %dma_wait3A_466 = tpu.memref_slice %arg12[%dma_wait3A_465] : memref<65536xi32, #tpu.memory_space<vmem_shared>> -> memref<65536xi32, #tpu.memory_space<vmem_shared>>
    tpu.wait_indirect_dma semaphore(%arg13 : memref<!tpu.dma_semaphore, #tpu.memory_space<semaphore_mem>>) src(%dma_wait3A_461 : memref<128xi32, #tpu.memory_space<vmem>>) dst(%dma_wait3A_466 : memref<65536xi32, #tpu.memory_space<vmem_shared>>)
    %dma_wait3A_467 = arith.constant 14 : i32
    %dma_wait3A_468 = arith.constant 14 : i32
    %dma_wait3A_469 = arith.constant 0 : i32
    %dma_wait3A_470 = tpu.memref_slice %arg7[%dma_wait3A_467, %dma_wait3A_469] : memref<32x128xi32, #tpu.memory_space<vmem>> -> memref<1x128xi32, #tpu.memory_space<vmem>>
    %dma_wait3A_471 = tpu.memref_squeeze %dma_wait3A_470 : memref<1x128xi32, #tpu.memory_space<vmem>> -> memref<128xi32, #tpu.memory_space<vmem>>
    %dma_wait3A_472 = arith.constant 0 : i32
    %dma_wait3A_473 = tpu.memref_slice %arg6[%dma_wait3A_468, %dma_wait3A_472] : memref<32x128xi32, #tpu.memory_space<vmem>> -> memref<1x128xi32, #tpu.memory_space<vmem>>
    %dma_wait3A_474 = tpu.memref_squeeze %dma_wait3A_473 : memref<1x128xi32, #tpu.memory_space<vmem>> -> memref<128xi32, #tpu.memory_space<vmem>>
    %dma_wait3A_475 = arith.constant 0 : i32
    %dma_wait3A_476 = tpu.memref_slice %arg12[%dma_wait3A_475] : memref<65536xi32, #tpu.memory_space<vmem_shared>> -> memref<65536xi32, #tpu.memory_space<vmem_shared>>
    tpu.wait_indirect_dma semaphore(%arg13 : memref<!tpu.dma_semaphore, #tpu.memory_space<semaphore_mem>>) src(%dma_wait3A_471 : memref<128xi32, #tpu.memory_space<vmem>>) dst(%dma_wait3A_476 : memref<65536xi32, #tpu.memory_space<vmem_shared>>)
    %dma_wait3A_477 = arith.constant 15 : i32
    %dma_wait3A_478 = arith.constant 15 : i32
    %dma_wait3A_479 = arith.constant 0 : i32
    %dma_wait3A_480 = tpu.memref_slice %arg7[%dma_wait3A_477, %dma_wait3A_479] : memref<32x128xi32, #tpu.memory_space<vmem>> -> memref<1x128xi32, #tpu.memory_space<vmem>>
    %dma_wait3A_481 = tpu.memref_squeeze %dma_wait3A_480 : memref<1x128xi32, #tpu.memory_space<vmem>> -> memref<128xi32, #tpu.memory_space<vmem>>
    %dma_wait3A_482 = arith.constant 0 : i32
    %dma_wait3A_483 = tpu.memref_slice %arg6[%dma_wait3A_478, %dma_wait3A_482] : memref<32x128xi32, #tpu.memory_space<vmem>> -> memref<1x128xi32, #tpu.memory_space<vmem>>
    %dma_wait3A_484 = tpu.memref_squeeze %dma_wait3A_483 : memref<1x128xi32, #tpu.memory_space<vmem>> -> memref<128xi32, #tpu.memory_space<vmem>>
    %dma_wait3A_485 = arith.constant 0 : i32
    %dma_wait3A_486 = tpu.memref_slice %arg12[%dma_wait3A_485] : memref<65536xi32, #tpu.memory_space<vmem_shared>> -> memref<65536xi32, #tpu.memory_space<vmem_shared>>
    tpu.wait_indirect_dma semaphore(%arg13 : memref<!tpu.dma_semaphore, #tpu.memory_space<semaphore_mem>>) src(%dma_wait3A_481 : memref<128xi32, #tpu.memory_space<vmem>>) dst(%dma_wait3A_486 : memref<65536xi32, #tpu.memory_space<vmem_shared>>)
    %dma_wait3A_487 = arith.constant 16 : i32
    %dma_wait3A_488 = arith.constant 16 : i32
    %dma_wait3A_489 = arith.constant 0 : i32
    %dma_wait3A_490 = tpu.memref_slice %arg7[%dma_wait3A_487, %dma_wait3A_489] : memref<32x128xi32, #tpu.memory_space<vmem>> -> memref<1x128xi32, #tpu.memory_space<vmem>>
    %dma_wait3A_491 = tpu.memref_squeeze %dma_wait3A_490 : memref<1x128xi32, #tpu.memory_space<vmem>> -> memref<128xi32, #tpu.memory_space<vmem>>
    %dma_wait3A_492 = arith.constant 0 : i32
    %dma_wait3A_493 = tpu.memref_slice %arg6[%dma_wait3A_488, %dma_wait3A_492] : memref<32x128xi32, #tpu.memory_space<vmem>> -> memref<1x128xi32, #tpu.memory_space<vmem>>
    %dma_wait3A_494 = tpu.memref_squeeze %dma_wait3A_493 : memref<1x128xi32, #tpu.memory_space<vmem>> -> memref<128xi32, #tpu.memory_space<vmem>>
    %dma_wait3A_495 = arith.constant 0 : i32
    %dma_wait3A_496 = tpu.memref_slice %arg12[%dma_wait3A_495] : memref<65536xi32, #tpu.memory_space<vmem_shared>> -> memref<65536xi32, #tpu.memory_space<vmem_shared>>
    tpu.wait_indirect_dma semaphore(%arg13 : memref<!tpu.dma_semaphore, #tpu.memory_space<semaphore_mem>>) src(%dma_wait3A_491 : memref<128xi32, #tpu.memory_space<vmem>>) dst(%dma_wait3A_496 : memref<65536xi32, #tpu.memory_space<vmem_shared>>)
    %dma_wait3A_497 = arith.constant 17 : i32
    %dma_wait3A_498 = arith.constant 17 : i32
    %dma_wait3A_499 = arith.constant 0 : i32
    %dma_wait3A_500 = tpu.memref_slice %arg7[%dma_wait3A_497, %dma_wait3A_499] : memref<32x128xi32, #tpu.memory_space<vmem>> -> memref<1x128xi32, #tpu.memory_space<vmem>>
    %dma_wait3A_501 = tpu.memref_squeeze %dma_wait3A_500 : memref<1x128xi32, #tpu.memory_space<vmem>> -> memref<128xi32, #tpu.memory_space<vmem>>
    %dma_wait3A_502 = arith.constant 0 : i32
    %dma_wait3A_503 = tpu.memref_slice %arg6[%dma_wait3A_498, %dma_wait3A_502] : memref<32x128xi32, #tpu.memory_space<vmem>> -> memref<1x128xi32, #tpu.memory_space<vmem>>
    %dma_wait3A_504 = tpu.memref_squeeze %dma_wait3A_503 : memref<1x128xi32, #tpu.memory_space<vmem>> -> memref<128xi32, #tpu.memory_space<vmem>>
    %dma_wait3A_505 = arith.constant 0 : i32
    %dma_wait3A_506 = tpu.memref_slice %arg12[%dma_wait3A_505] : memref<65536xi32, #tpu.memory_space<vmem_shared>> -> memref<65536xi32, #tpu.memory_space<vmem_shared>>
    tpu.wait_indirect_dma semaphore(%arg13 : memref<!tpu.dma_semaphore, #tpu.memory_space<semaphore_mem>>) src(%dma_wait3A_501 : memref<128xi32, #tpu.memory_space<vmem>>) dst(%dma_wait3A_506 : memref<65536xi32, #tpu.memory_space<vmem_shared>>)
    %dma_wait3A_507 = arith.constant 18 : i32
    %dma_wait3A_508 = arith.constant 18 : i32
    %dma_wait3A_509 = arith.constant 0 : i32
    %dma_wait3A_510 = tpu.memref_slice %arg7[%dma_wait3A_507, %dma_wait3A_509] : memref<32x128xi32, #tpu.memory_space<vmem>> -> memref<1x128xi32, #tpu.memory_space<vmem>>
    %dma_wait3A_511 = tpu.memref_squeeze %dma_wait3A_510 : memref<1x128xi32, #tpu.memory_space<vmem>> -> memref<128xi32, #tpu.memory_space<vmem>>
    %dma_wait3A_512 = arith.constant 0 : i32
    %dma_wait3A_513 = tpu.memref_slice %arg6[%dma_wait3A_508, %dma_wait3A_512] : memref<32x128xi32, #tpu.memory_space<vmem>> -> memref<1x128xi32, #tpu.memory_space<vmem>>
    %dma_wait3A_514 = tpu.memref_squeeze %dma_wait3A_513 : memref<1x128xi32, #tpu.memory_space<vmem>> -> memref<128xi32, #tpu.memory_space<vmem>>
    %dma_wait3A_515 = arith.constant 0 : i32
    %dma_wait3A_516 = tpu.memref_slice %arg12[%dma_wait3A_515] : memref<65536xi32, #tpu.memory_space<vmem_shared>> -> memref<65536xi32, #tpu.memory_space<vmem_shared>>
    tpu.wait_indirect_dma semaphore(%arg13 : memref<!tpu.dma_semaphore, #tpu.memory_space<semaphore_mem>>) src(%dma_wait3A_511 : memref<128xi32, #tpu.memory_space<vmem>>) dst(%dma_wait3A_516 : memref<65536xi32, #tpu.memory_space<vmem_shared>>)
    %dma_wait3A_517 = arith.constant 19 : i32
    %dma_wait3A_518 = arith.constant 19 : i32
    %dma_wait3A_519 = arith.constant 0 : i32
    %dma_wait3A_520 = tpu.memref_slice %arg7[%dma_wait3A_517, %dma_wait3A_519] : memref<32x128xi32, #tpu.memory_space<vmem>> -> memref<1x128xi32, #tpu.memory_space<vmem>>
    %dma_wait3A_521 = tpu.memref_squeeze %dma_wait3A_520 : memref<1x128xi32, #tpu.memory_space<vmem>> -> memref<128xi32, #tpu.memory_space<vmem>>
    %dma_wait3A_522 = arith.constant 0 : i32
    %dma_wait3A_523 = tpu.memref_slice %arg6[%dma_wait3A_518, %dma_wait3A_522] : memref<32x128xi32, #tpu.memory_space<vmem>> -> memref<1x128xi32, #tpu.memory_space<vmem>>
    %dma_wait3A_524 = tpu.memref_squeeze %dma_wait3A_523 : memref<1x128xi32, #tpu.memory_space<vmem>> -> memref<128xi32, #tpu.memory_space<vmem>>
    %dma_wait3A_525 = arith.constant 0 : i32
    %dma_wait3A_526 = tpu.memref_slice %arg12[%dma_wait3A_525] : memref<65536xi32, #tpu.memory_space<vmem_shared>> -> memref<65536xi32, #tpu.memory_space<vmem_shared>>
    tpu.wait_indirect_dma semaphore(%arg13 : memref<!tpu.dma_semaphore, #tpu.memory_space<semaphore_mem>>) src(%dma_wait3A_521 : memref<128xi32, #tpu.memory_space<vmem>>) dst(%dma_wait3A_526 : memref<65536xi32, #tpu.memory_space<vmem_shared>>)
    %dma_wait3A_527 = arith.constant 20 : i32
    %dma_wait3A_528 = arith.constant 20 : i32
    %dma_wait3A_529 = arith.constant 0 : i32
    %dma_wait3A_530 = tpu.memref_slice %arg7[%dma_wait3A_527, %dma_wait3A_529] : memref<32x128xi32, #tpu.memory_space<vmem>> -> memref<1x128xi32, #tpu.memory_space<vmem>>
    %dma_wait3A_531 = tpu.memref_squeeze %dma_wait3A_530 : memref<1x128xi32, #tpu.memory_space<vmem>> -> memref<128xi32, #tpu.memory_space<vmem>>
    %dma_wait3A_532 = arith.constant 0 : i32
    %dma_wait3A_533 = tpu.memref_slice %arg6[%dma_wait3A_528, %dma_wait3A_532] : memref<32x128xi32, #tpu.memory_space<vmem>> -> memref<1x128xi32, #tpu.memory_space<vmem>>
    %dma_wait3A_534 = tpu.memref_squeeze %dma_wait3A_533 : memref<1x128xi32, #tpu.memory_space<vmem>> -> memref<128xi32, #tpu.memory_space<vmem>>
    %dma_wait3A_535 = arith.constant 0 : i32
    %dma_wait3A_536 = tpu.memref_slice %arg12[%dma_wait3A_535] : memref<65536xi32, #tpu.memory_space<vmem_shared>> -> memref<65536xi32, #tpu.memory_space<vmem_shared>>
    tpu.wait_indirect_dma semaphore(%arg13 : memref<!tpu.dma_semaphore, #tpu.memory_space<semaphore_mem>>) src(%dma_wait3A_531 : memref<128xi32, #tpu.memory_space<vmem>>) dst(%dma_wait3A_536 : memref<65536xi32, #tpu.memory_space<vmem_shared>>)
    %dma_wait3A_537 = arith.constant 21 : i32
    %dma_wait3A_538 = arith.constant 21 : i32
    %dma_wait3A_539 = arith.constant 0 : i32
    %dma_wait3A_540 = tpu.memref_slice %arg7[%dma_wait3A_537, %dma_wait3A_539] : memref<32x128xi32, #tpu.memory_space<vmem>> -> memref<1x128xi32, #tpu.memory_space<vmem>>
    %dma_wait3A_541 = tpu.memref_squeeze %dma_wait3A_540 : memref<1x128xi32, #tpu.memory_space<vmem>> -> memref<128xi32, #tpu.memory_space<vmem>>
    %dma_wait3A_542 = arith.constant 0 : i32
    %dma_wait3A_543 = tpu.memref_slice %arg6[%dma_wait3A_538, %dma_wait3A_542] : memref<32x128xi32, #tpu.memory_space<vmem>> -> memref<1x128xi32, #tpu.memory_space<vmem>>
    %dma_wait3A_544 = tpu.memref_squeeze %dma_wait3A_543 : memref<1x128xi32, #tpu.memory_space<vmem>> -> memref<128xi32, #tpu.memory_space<vmem>>
    %dma_wait3A_545 = arith.constant 0 : i32
    %dma_wait3A_546 = tpu.memref_slice %arg12[%dma_wait3A_545] : memref<65536xi32, #tpu.memory_space<vmem_shared>> -> memref<65536xi32, #tpu.memory_space<vmem_shared>>
    tpu.wait_indirect_dma semaphore(%arg13 : memref<!tpu.dma_semaphore, #tpu.memory_space<semaphore_mem>>) src(%dma_wait3A_541 : memref<128xi32, #tpu.memory_space<vmem>>) dst(%dma_wait3A_546 : memref<65536xi32, #tpu.memory_space<vmem_shared>>)
    %dma_wait3A_547 = arith.constant 22 : i32
    %dma_wait3A_548 = arith.constant 22 : i32
    %dma_wait3A_549 = arith.constant 0 : i32
    %dma_wait3A_550 = tpu.memref_slice %arg7[%dma_wait3A_547, %dma_wait3A_549] : memref<32x128xi32, #tpu.memory_space<vmem>> -> memref<1x128xi32, #tpu.memory_space<vmem>>
    %dma_wait3A_551 = tpu.memref_squeeze %dma_wait3A_550 : memref<1x128xi32, #tpu.memory_space<vmem>> -> memref<128xi32, #tpu.memory_space<vmem>>
    %dma_wait3A_552 = arith.constant 0 : i32
    %dma_wait3A_553 = tpu.memref_slice %arg6[%dma_wait3A_548, %dma_wait3A_552] : memref<32x128xi32, #tpu.memory_space<vmem>> -> memref<1x128xi32, #tpu.memory_space<vmem>>
    %dma_wait3A_554 = tpu.memref_squeeze %dma_wait3A_553 : memref<1x128xi32, #tpu.memory_space<vmem>> -> memref<128xi32, #tpu.memory_space<vmem>>
    %dma_wait3A_555 = arith.constant 0 : i32
    %dma_wait3A_556 = tpu.memref_slice %arg12[%dma_wait3A_555] : memref<65536xi32, #tpu.memory_space<vmem_shared>> -> memref<65536xi32, #tpu.memory_space<vmem_shared>>
    tpu.wait_indirect_dma semaphore(%arg13 : memref<!tpu.dma_semaphore, #tpu.memory_space<semaphore_mem>>) src(%dma_wait3A_551 : memref<128xi32, #tpu.memory_space<vmem>>) dst(%dma_wait3A_556 : memref<65536xi32, #tpu.memory_space<vmem_shared>>)
    %dma_wait3A_557 = arith.constant 23 : i32
    %dma_wait3A_558 = arith.constant 23 : i32
    %dma_wait3A_559 = arith.constant 0 : i32
    %dma_wait3A_560 = tpu.memref_slice %arg7[%dma_wait3A_557, %dma_wait3A_559] : memref<32x128xi32, #tpu.memory_space<vmem>> -> memref<1x128xi32, #tpu.memory_space<vmem>>
    %dma_wait3A_561 = tpu.memref_squeeze %dma_wait3A_560 : memref<1x128xi32, #tpu.memory_space<vmem>> -> memref<128xi32, #tpu.memory_space<vmem>>
    %dma_wait3A_562 = arith.constant 0 : i32
    %dma_wait3A_563 = tpu.memref_slice %arg6[%dma_wait3A_558, %dma_wait3A_562] : memref<32x128xi32, #tpu.memory_space<vmem>> -> memref<1x128xi32, #tpu.memory_space<vmem>>
    %dma_wait3A_564 = tpu.memref_squeeze %dma_wait3A_563 : memref<1x128xi32, #tpu.memory_space<vmem>> -> memref<128xi32, #tpu.memory_space<vmem>>
    %dma_wait3A_565 = arith.constant 0 : i32
    %dma_wait3A_566 = tpu.memref_slice %arg12[%dma_wait3A_565] : memref<65536xi32, #tpu.memory_space<vmem_shared>> -> memref<65536xi32, #tpu.memory_space<vmem_shared>>
    tpu.wait_indirect_dma semaphore(%arg13 : memref<!tpu.dma_semaphore, #tpu.memory_space<semaphore_mem>>) src(%dma_wait3A_561 : memref<128xi32, #tpu.memory_space<vmem>>) dst(%dma_wait3A_566 : memref<65536xi32, #tpu.memory_space<vmem_shared>>)
    %dma_wait3A_567 = arith.constant 24 : i32
    %dma_wait3A_568 = arith.constant 24 : i32
    %dma_wait3A_569 = arith.constant 0 : i32
    %dma_wait3A_570 = tpu.memref_slice %arg7[%dma_wait3A_567, %dma_wait3A_569] : memref<32x128xi32, #tpu.memory_space<vmem>> -> memref<1x128xi32, #tpu.memory_space<vmem>>
    %dma_wait3A_571 = tpu.memref_squeeze %dma_wait3A_570 : memref<1x128xi32, #tpu.memory_space<vmem>> -> memref<128xi32, #tpu.memory_space<vmem>>
    %dma_wait3A_572 = arith.constant 0 : i32
    %dma_wait3A_573 = tpu.memref_slice %arg6[%dma_wait3A_568, %dma_wait3A_572] : memref<32x128xi32, #tpu.memory_space<vmem>> -> memref<1x128xi32, #tpu.memory_space<vmem>>
    %dma_wait3A_574 = tpu.memref_squeeze %dma_wait3A_573 : memref<1x128xi32, #tpu.memory_space<vmem>> -> memref<128xi32, #tpu.memory_space<vmem>>
    %dma_wait3A_575 = arith.constant 0 : i32
    %dma_wait3A_576 = tpu.memref_slice %arg12[%dma_wait3A_575] : memref<65536xi32, #tpu.memory_space<vmem_shared>> -> memref<65536xi32, #tpu.memory_space<vmem_shared>>
    tpu.wait_indirect_dma semaphore(%arg13 : memref<!tpu.dma_semaphore, #tpu.memory_space<semaphore_mem>>) src(%dma_wait3A_571 : memref<128xi32, #tpu.memory_space<vmem>>) dst(%dma_wait3A_576 : memref<65536xi32, #tpu.memory_space<vmem_shared>>)
    %dma_wait3A_577 = arith.constant 25 : i32
    %dma_wait3A_578 = arith.constant 25 : i32
    %dma_wait3A_579 = arith.constant 0 : i32
    %dma_wait3A_580 = tpu.memref_slice %arg7[%dma_wait3A_577, %dma_wait3A_579] : memref<32x128xi32, #tpu.memory_space<vmem>> -> memref<1x128xi32, #tpu.memory_space<vmem>>
    %dma_wait3A_581 = tpu.memref_squeeze %dma_wait3A_580 : memref<1x128xi32, #tpu.memory_space<vmem>> -> memref<128xi32, #tpu.memory_space<vmem>>
    %dma_wait3A_582 = arith.constant 0 : i32
    %dma_wait3A_583 = tpu.memref_slice %arg6[%dma_wait3A_578, %dma_wait3A_582] : memref<32x128xi32, #tpu.memory_space<vmem>> -> memref<1x128xi32, #tpu.memory_space<vmem>>
    %dma_wait3A_584 = tpu.memref_squeeze %dma_wait3A_583 : memref<1x128xi32, #tpu.memory_space<vmem>> -> memref<128xi32, #tpu.memory_space<vmem>>
    %dma_wait3A_585 = arith.constant 0 : i32
    %dma_wait3A_586 = tpu.memref_slice %arg12[%dma_wait3A_585] : memref<65536xi32, #tpu.memory_space<vmem_shared>> -> memref<65536xi32, #tpu.memory_space<vmem_shared>>
    tpu.wait_indirect_dma semaphore(%arg13 : memref<!tpu.dma_semaphore, #tpu.memory_space<semaphore_mem>>) src(%dma_wait3A_581 : memref<128xi32, #tpu.memory_space<vmem>>) dst(%dma_wait3A_586 : memref<65536xi32, #tpu.memory_space<vmem_shared>>)
    %dma_wait3A_587 = arith.constant 26 : i32
    %dma_wait3A_588 = arith.constant 26 : i32
    %dma_wait3A_589 = arith.constant 0 : i32
    %dma_wait3A_590 = tpu.memref_slice %arg7[%dma_wait3A_587, %dma_wait3A_589] : memref<32x128xi32, #tpu.memory_space<vmem>> -> memref<1x128xi32, #tpu.memory_space<vmem>>
    %dma_wait3A_591 = tpu.memref_squeeze %dma_wait3A_590 : memref<1x128xi32, #tpu.memory_space<vmem>> -> memref<128xi32, #tpu.memory_space<vmem>>
    %dma_wait3A_592 = arith.constant 0 : i32
    %dma_wait3A_593 = tpu.memref_slice %arg6[%dma_wait3A_588, %dma_wait3A_592] : memref<32x128xi32, #tpu.memory_space<vmem>> -> memref<1x128xi32, #tpu.memory_space<vmem>>
    %dma_wait3A_594 = tpu.memref_squeeze %dma_wait3A_593 : memref<1x128xi32, #tpu.memory_space<vmem>> -> memref<128xi32, #tpu.memory_space<vmem>>
    %dma_wait3A_595 = arith.constant 0 : i32
    %dma_wait3A_596 = tpu.memref_slice %arg12[%dma_wait3A_595] : memref<65536xi32, #tpu.memory_space<vmem_shared>> -> memref<65536xi32, #tpu.memory_space<vmem_shared>>
    tpu.wait_indirect_dma semaphore(%arg13 : memref<!tpu.dma_semaphore, #tpu.memory_space<semaphore_mem>>) src(%dma_wait3A_591 : memref<128xi32, #tpu.memory_space<vmem>>) dst(%dma_wait3A_596 : memref<65536xi32, #tpu.memory_space<vmem_shared>>)
    %dma_wait3A_597 = arith.constant 27 : i32
    %dma_wait3A_598 = arith.constant 27 : i32
    %dma_wait3A_599 = arith.constant 0 : i32
    %dma_wait3A_600 = tpu.memref_slice %arg7[%dma_wait3A_597, %dma_wait3A_599] : memref<32x128xi32, #tpu.memory_space<vmem>> -> memref<1x128xi32, #tpu.memory_space<vmem>>
    %dma_wait3A_601 = tpu.memref_squeeze %dma_wait3A_600 : memref<1x128xi32, #tpu.memory_space<vmem>> -> memref<128xi32, #tpu.memory_space<vmem>>
    %dma_wait3A_602 = arith.constant 0 : i32
    %dma_wait3A_603 = tpu.memref_slice %arg6[%dma_wait3A_598, %dma_wait3A_602] : memref<32x128xi32, #tpu.memory_space<vmem>> -> memref<1x128xi32, #tpu.memory_space<vmem>>
    %dma_wait3A_604 = tpu.memref_squeeze %dma_wait3A_603 : memref<1x128xi32, #tpu.memory_space<vmem>> -> memref<128xi32, #tpu.memory_space<vmem>>
    %dma_wait3A_605 = arith.constant 0 : i32
    %dma_wait3A_606 = tpu.memref_slice %arg12[%dma_wait3A_605] : memref<65536xi32, #tpu.memory_space<vmem_shared>> -> memref<65536xi32, #tpu.memory_space<vmem_shared>>
    tpu.wait_indirect_dma semaphore(%arg13 : memref<!tpu.dma_semaphore, #tpu.memory_space<semaphore_mem>>) src(%dma_wait3A_601 : memref<128xi32, #tpu.memory_space<vmem>>) dst(%dma_wait3A_606 : memref<65536xi32, #tpu.memory_space<vmem_shared>>)
    %dma_wait3A_607 = arith.constant 28 : i32
    %dma_wait3A_608 = arith.constant 28 : i32
    %dma_wait3A_609 = arith.constant 0 : i32
    %dma_wait3A_610 = tpu.memref_slice %arg7[%dma_wait3A_607, %dma_wait3A_609] : memref<32x128xi32, #tpu.memory_space<vmem>> -> memref<1x128xi32, #tpu.memory_space<vmem>>
    %dma_wait3A_611 = tpu.memref_squeeze %dma_wait3A_610 : memref<1x128xi32, #tpu.memory_space<vmem>> -> memref<128xi32, #tpu.memory_space<vmem>>
    %dma_wait3A_612 = arith.constant 0 : i32
    %dma_wait3A_613 = tpu.memref_slice %arg6[%dma_wait3A_608, %dma_wait3A_612] : memref<32x128xi32, #tpu.memory_space<vmem>> -> memref<1x128xi32, #tpu.memory_space<vmem>>
    %dma_wait3A_614 = tpu.memref_squeeze %dma_wait3A_613 : memref<1x128xi32, #tpu.memory_space<vmem>> -> memref<128xi32, #tpu.memory_space<vmem>>
    %dma_wait3A_615 = arith.constant 0 : i32
    %dma_wait3A_616 = tpu.memref_slice %arg12[%dma_wait3A_615] : memref<65536xi32, #tpu.memory_space<vmem_shared>> -> memref<65536xi32, #tpu.memory_space<vmem_shared>>
    tpu.wait_indirect_dma semaphore(%arg13 : memref<!tpu.dma_semaphore, #tpu.memory_space<semaphore_mem>>) src(%dma_wait3A_611 : memref<128xi32, #tpu.memory_space<vmem>>) dst(%dma_wait3A_616 : memref<65536xi32, #tpu.memory_space<vmem_shared>>)
    %dma_wait3A_617 = arith.constant 29 : i32
    %dma_wait3A_618 = arith.constant 29 : i32
    %dma_wait3A_619 = arith.constant 0 : i32
    %dma_wait3A_620 = tpu.memref_slice %arg7[%dma_wait3A_617, %dma_wait3A_619] : memref<32x128xi32, #tpu.memory_space<vmem>> -> memref<1x128xi32, #tpu.memory_space<vmem>>
    %dma_wait3A_621 = tpu.memref_squeeze %dma_wait3A_620 : memref<1x128xi32, #tpu.memory_space<vmem>> -> memref<128xi32, #tpu.memory_space<vmem>>
    %dma_wait3A_622 = arith.constant 0 : i32
    %dma_wait3A_623 = tpu.memref_slice %arg6[%dma_wait3A_618, %dma_wait3A_622] : memref<32x128xi32, #tpu.memory_space<vmem>> -> memref<1x128xi32, #tpu.memory_space<vmem>>
    %dma_wait3A_624 = tpu.memref_squeeze %dma_wait3A_623 : memref<1x128xi32, #tpu.memory_space<vmem>> -> memref<128xi32, #tpu.memory_space<vmem>>
    %dma_wait3A_625 = arith.constant 0 : i32
    %dma_wait3A_626 = tpu.memref_slice %arg12[%dma_wait3A_625] : memref<65536xi32, #tpu.memory_space<vmem_shared>> -> memref<65536xi32, #tpu.memory_space<vmem_shared>>
    tpu.wait_indirect_dma semaphore(%arg13 : memref<!tpu.dma_semaphore, #tpu.memory_space<semaphore_mem>>) src(%dma_wait3A_621 : memref<128xi32, #tpu.memory_space<vmem>>) dst(%dma_wait3A_626 : memref<65536xi32, #tpu.memory_space<vmem_shared>>)
    %dma_wait3A_627 = arith.constant 30 : i32
    %dma_wait3A_628 = arith.constant 30 : i32
    %dma_wait3A_629 = arith.constant 0 : i32
    %dma_wait3A_630 = tpu.memref_slice %arg7[%dma_wait3A_627, %dma_wait3A_629] : memref<32x128xi32, #tpu.memory_space<vmem>> -> memref<1x128xi32, #tpu.memory_space<vmem>>
    %dma_wait3A_631 = tpu.memref_squeeze %dma_wait3A_630 : memref<1x128xi32, #tpu.memory_space<vmem>> -> memref<128xi32, #tpu.memory_space<vmem>>
    %dma_wait3A_632 = arith.constant 0 : i32
    %dma_wait3A_633 = tpu.memref_slice %arg6[%dma_wait3A_628, %dma_wait3A_632] : memref<32x128xi32, #tpu.memory_space<vmem>> -> memref<1x128xi32, #tpu.memory_space<vmem>>
    %dma_wait3A_634 = tpu.memref_squeeze %dma_wait3A_633 : memref<1x128xi32, #tpu.memory_space<vmem>> -> memref<128xi32, #tpu.memory_space<vmem>>
    %dma_wait3A_635 = arith.constant 0 : i32
    %dma_wait3A_636 = tpu.memref_slice %arg12[%dma_wait3A_635] : memref<65536xi32, #tpu.memory_space<vmem_shared>> -> memref<65536xi32, #tpu.memory_space<vmem_shared>>
    tpu.wait_indirect_dma semaphore(%arg13 : memref<!tpu.dma_semaphore, #tpu.memory_space<semaphore_mem>>) src(%dma_wait3A_631 : memref<128xi32, #tpu.memory_space<vmem>>) dst(%dma_wait3A_636 : memref<65536xi32, #tpu.memory_space<vmem_shared>>)
    %dma_wait3A_637 = arith.constant 31 : i32
    %dma_wait3A_638 = arith.constant 31 : i32
    %dma_wait3A_639 = arith.constant 0 : i32
    %dma_wait3A_640 = tpu.memref_slice %arg7[%dma_wait3A_637, %dma_wait3A_639] : memref<32x128xi32, #tpu.memory_space<vmem>> -> memref<1x128xi32, #tpu.memory_space<vmem>>
    %dma_wait3A_641 = tpu.memref_squeeze %dma_wait3A_640 : memref<1x128xi32, #tpu.memory_space<vmem>> -> memref<128xi32, #tpu.memory_space<vmem>>
    %dma_wait3A_642 = arith.constant 0 : i32
    %dma_wait3A_643 = tpu.memref_slice %arg6[%dma_wait3A_638, %dma_wait3A_642] : memref<32x128xi32, #tpu.memory_space<vmem>> -> memref<1x128xi32, #tpu.memory_space<vmem>>
    %dma_wait3A_644 = tpu.memref_squeeze %dma_wait3A_643 : memref<1x128xi32, #tpu.memory_space<vmem>> -> memref<128xi32, #tpu.memory_space<vmem>>
    %dma_wait3A_645 = arith.constant 0 : i32
    %dma_wait3A_646 = tpu.memref_slice %arg12[%dma_wait3A_645] : memref<65536xi32, #tpu.memory_space<vmem_shared>> -> memref<65536xi32, #tpu.memory_space<vmem_shared>>
    tpu.wait_indirect_dma semaphore(%arg13 : memref<!tpu.dma_semaphore, #tpu.memory_space<semaphore_mem>>) src(%dma_wait3A_641 : memref<128xi32, #tpu.memory_space<vmem>>) dst(%dma_wait3A_646 : memref<65536xi32, #tpu.memory_space<vmem_shared>>)
    %barrier3A = arith.constant 0 : index
    tpu.barrier barrier_id(%barrier3A)
    %mul3A_647 = arith.constant 8 : i32
    %mul3A_648 = arith.muli %add3A, %mul3A_647 : i32
    "tpu.region"() ({
      %run_scoped3A = tpu.sem_alloc : memref<!tpu.dma_semaphore, #tpu.memory_space<semaphore_mem>>
      %dma_start3A_691 = arith.constant 0 : i32
      %dma_start3A_692 = tpu.memref_slice %arg12[%dma_start3A_691] : memref<65536xi32, #tpu.memory_space<vmem_shared>> -> memref<16xi32, #tpu.memory_space<vmem_shared>>
      %dma_start3A_693 = arith.constant 0 : i32
      %dma_start3A_694 = tpu.memref_slice %arg12[%dma_start3A_693] : memref<65536xi32, #tpu.memory_space<vmem_shared>> -> memref<16xi32, #tpu.memory_space<vmem_shared>>
      tpu.enqueue_dma source(%dma_start3A_694 : memref<16xi32, #tpu.memory_space<vmem_shared>>) target(%arg11 : memref<16xi32, #tpu.memory_space<vmem>>) target_semaphore(%run_scoped3A : memref<!tpu.dma_semaphore, #tpu.memory_space<semaphore_mem>>)
      %dma_wait3A_695 = arith.constant 0 : i32
      %dma_wait3A_696 = tpu.memref_slice %arg12[%dma_wait3A_695] : memref<65536xi32, #tpu.memory_space<vmem_shared>> -> memref<16xi32, #tpu.memory_space<vmem_shared>>
      %dma_wait3A_697 = arith.constant 0 : i32
      %dma_wait3A_698 = tpu.memref_slice %arg12[%dma_wait3A_697] : memref<65536xi32, #tpu.memory_space<vmem_shared>> -> memref<16xi32, #tpu.memory_space<vmem_shared>>
      tpu.wait_dma2 semaphore(%run_scoped3A : memref<!tpu.dma_semaphore, #tpu.memory_space<semaphore_mem>>) src(%dma_wait3A_698 : memref<16xi32, #tpu.memory_space<vmem_shared>>) dst(%arg11 : memref<16xi32, #tpu.memory_space<vmem>>)
      tpu.yield
    }) : () -> ()
    %get3A = arith.constant 0 : index
    %get3A_649 = tpu.vector_load %arg11[%get3A] {strides = array<i32>} : memref<16xi32, #tpu.memory_space<vmem>>, vector<16xi32>,
    %get3A_650 = vector.shape_cast %get3A_649 : vector<16xi32> to vector<16xi32>
    %slice3A = vector.extract_strided_slice %get3A_650 {offsets = [0], sizes = [1], strides = [1]} : vector<16xi32> to vector<1xi32>
    %squeeze3A = vector.extract %slice3A[0] : i32 from vector<1xi32>
    %scan3A_651 = arith.constant 0 : i32
    %scan3A_652 = arith.constant 0 : i32
    %scan3A_653 = arith.constant 8 : i32
    %scan3A_654 = arith.addi %scan3A_652, %scan3A_653 : i32
    %scan3A_655 = arith.constant 1 : i32
    %scan3A_656 = scf.for %scan3A_691 = %scan3A_652 to %scan3A_654 step %scan3A_655 iter_args(%scan3A_692 = %scan3A_651) -> (i32)  : i32 {
      %broadcast_in_dim3A = vector.broadcast %squeeze3A : i32 to vector<16xi32>
      %swap3A = arith.index_cast %scan3A_691 : i32 to index
      %swap3A_693 = arith.constant 0 : index
      %swap3A_694 = tpu.vector_load %arg8[%swap3A, %swap3A_693] {strides = array<i32>} : memref<8x128xi32, #tpu.memory_space<vmem>>, vector<1x16xi32>,
      %swap3A_695 = vector.shape_cast %swap3A_694 : vector<1x16xi32> to vector<16xi32>
      %swap3A_696 = vector.shape_cast %broadcast_in_dim3A : vector<16xi32> to vector<1x16xi32>
      tpu.vector_store %arg8[%swap3A, %swap3A_693], %swap3A_696 {strides = array<i32>} : memref<8x128xi32, #tpu.memory_space<vmem>>, vector<1x16xi32>,
      %broadcast_in_dim3A_697 = vector.broadcast %squeeze3A : i32 to vector<16xi32>
      %swap3A_698 = arith.index_cast %scan3A_691 : i32 to index
      %swap3A_699 = arith.constant 16 : index
      %swap3A_700 = tpu.vector_load %arg8[%swap3A_698, %swap3A_699] {strides = array<i32>} : memref<8x128xi32, #tpu.memory_space<vmem>>, vector<1x16xi32>,
      %swap3A_701 = vector.shape_cast %swap3A_700 : vector<1x16xi32> to vector<16xi32>
      %swap3A_702 = vector.shape_cast %broadcast_in_dim3A_697 : vector<16xi32> to vector<1x16xi32>
      tpu.vector_store %arg8[%swap3A_698, %swap3A_699], %swap3A_702 {strides = array<i32>} : memref<8x128xi32, #tpu.memory_space<vmem>>, vector<1x16xi32>,
      %broadcast_in_dim3A_703 = vector.broadcast %squeeze3A : i32 to vector<16xi32>
      %swap3A_704 = arith.index_cast %scan3A_691 : i32 to index
      %swap3A_705 = arith.constant 32 : index
      %swap3A_706 = tpu.vector_load %arg8[%swap3A_704, %swap3A_705] {strides = array<i32>} : memref<8x128xi32, #tpu.memory_space<vmem>>, vector<1x16xi32>,
      %swap3A_707 = vector.shape_cast %swap3A_706 : vector<1x16xi32> to vector<16xi32>
      %swap3A_708 = vector.shape_cast %broadcast_in_dim3A_703 : vector<16xi32> to vector<1x16xi32>
      tpu.vector_store %arg8[%swap3A_704, %swap3A_705], %swap3A_708 {strides = array<i32>} : memref<8x128xi32, #tpu.memory_space<vmem>>, vector<1x16xi32>,
      %broadcast_in_dim3A_709 = vector.broadcast %squeeze3A : i32 to vector<16xi32>
      %swap3A_710 = arith.index_cast %scan3A_691 : i32 to index
      %swap3A_711 = arith.constant 48 : index
      %swap3A_712 = tpu.vector_load %arg8[%swap3A_710, %swap3A_711] {strides = array<i32>} : memref<8x128xi32, #tpu.memory_space<vmem>>, vector<1x16xi32>,
      %swap3A_713 = vector.shape_cast %swap3A_712 : vector<1x16xi32> to vector<16xi32>
      %swap3A_714 = vector.shape_cast %broadcast_in_dim3A_709 : vector<16xi32> to vector<1x16xi32>
      tpu.vector_store %arg8[%swap3A_710, %swap3A_711], %swap3A_714 {strides = array<i32>} : memref<8x128xi32, #tpu.memory_space<vmem>>, vector<1x16xi32>,
      %broadcast_in_dim3A_715 = vector.broadcast %squeeze3A : i32 to vector<16xi32>
      %swap3A_716 = arith.index_cast %scan3A_691 : i32 to index
      %swap3A_717 = arith.constant 64 : index
      %swap3A_718 = tpu.vector_load %arg8[%swap3A_716, %swap3A_717] {strides = array<i32>} : memref<8x128xi32, #tpu.memory_space<vmem>>, vector<1x16xi32>,
      %swap3A_719 = vector.shape_cast %swap3A_718 : vector<1x16xi32> to vector<16xi32>
      %swap3A_720 = vector.shape_cast %broadcast_in_dim3A_715 : vector<16xi32> to vector<1x16xi32>
      tpu.vector_store %arg8[%swap3A_716, %swap3A_717], %swap3A_720 {strides = array<i32>} : memref<8x128xi32, #tpu.memory_space<vmem>>, vector<1x16xi32>,
      %broadcast_in_dim3A_721 = vector.broadcast %squeeze3A : i32 to vector<16xi32>
      %swap3A_722 = arith.index_cast %scan3A_691 : i32 to index
      %swap3A_723 = arith.constant 80 : index
      %swap3A_724 = tpu.vector_load %arg8[%swap3A_722, %swap3A_723] {strides = array<i32>} : memref<8x128xi32, #tpu.memory_space<vmem>>, vector<1x16xi32>,
      %swap3A_725 = vector.shape_cast %swap3A_724 : vector<1x16xi32> to vector<16xi32>
      %swap3A_726 = vector.shape_cast %broadcast_in_dim3A_721 : vector<16xi32> to vector<1x16xi32>
      tpu.vector_store %arg8[%swap3A_722, %swap3A_723], %swap3A_726 {strides = array<i32>} : memref<8x128xi32, #tpu.memory_space<vmem>>, vector<1x16xi32>,
      %broadcast_in_dim3A_727 = vector.broadcast %squeeze3A : i32 to vector<16xi32>
      %swap3A_728 = arith.index_cast %scan3A_691 : i32 to index
      %swap3A_729 = arith.constant 96 : index
      %swap3A_730 = tpu.vector_load %arg8[%swap3A_728, %swap3A_729] {strides = array<i32>} : memref<8x128xi32, #tpu.memory_space<vmem>>, vector<1x16xi32>,
      %swap3A_731 = vector.shape_cast %swap3A_730 : vector<1x16xi32> to vector<16xi32>
      %swap3A_732 = vector.shape_cast %broadcast_in_dim3A_727 : vector<16xi32> to vector<1x16xi32>
      tpu.vector_store %arg8[%swap3A_728, %swap3A_729], %swap3A_732 {strides = array<i32>} : memref<8x128xi32, #tpu.memory_space<vmem>>, vector<1x16xi32>,
      %broadcast_in_dim3A_733 = vector.broadcast %squeeze3A : i32 to vector<16xi32>
      %swap3A_734 = arith.index_cast %scan3A_691 : i32 to index
      %swap3A_735 = arith.constant 112 : index
      %swap3A_736 = tpu.vector_load %arg8[%swap3A_734, %swap3A_735] {strides = array<i32>} : memref<8x128xi32, #tpu.memory_space<vmem>>, vector<1x16xi32>,
      %swap3A_737 = vector.shape_cast %swap3A_736 : vector<1x16xi32> to vector<16xi32>
      %swap3A_738 = vector.shape_cast %broadcast_in_dim3A_733 : vector<16xi32> to vector<1x16xi32>
      tpu.vector_store %arg8[%swap3A_734, %swap3A_735], %swap3A_738 {strides = array<i32>} : memref<8x128xi32, #tpu.memory_space<vmem>>, vector<1x16xi32>,
      %scan3A_739 = arith.constant 0 : i32
      scf.yield %scan3A_739 : i32
    }
    %scan3A_657 = arith.constant 8 : i32
    %jit3A = arith.constant 8 : i32
    %div3A = arith.divsi %add3A, %jit3A : i32
    %sign3A = arith.constant 0 : i32
    %sign3A_658 = arith.cmpi sgt, %add3A, %sign3A : i32
    %sign3A_659 = arith.extui %sign3A_658 : i1 to i32
    %sign3A_660 = arith.constant 0 : i32
    %sign3A_661 = arith.cmpi slt, %add3A, %sign3A_660 : i32
    %sign3A_662 = arith.extui %sign3A_661 : i1 to i32
    %sign3A_663 = arith.subi %sign3A_659, %sign3A_662 : i32
    %sign3A_664 = arith.constant 0 : i32
    %sign3A_665 = arith.cmpi sgt, %jit3A, %sign3A_664 : i32
    %sign3A_666 = arith.extui %sign3A_665 : i1 to i32
    %sign3A_667 = arith.constant 0 : i32
    %sign3A_668 = arith.cmpi slt, %jit3A, %sign3A_667 : i32
    %sign3A_669 = arith.extui %sign3A_668 : i1 to i32
    %sign3A_670 = arith.subi %sign3A_666, %sign3A_669 : i32
    %ne3A = arith.cmpi ne, %sign3A_663, %sign3A_670 : i32
    %rem3A = arith.remsi %add3A, %jit3A : i32
    %ne3A_671 = arith.constant 0 : i32
    %ne3A_672 = arith.cmpi ne, %rem3A, %ne3A_671 : i32
    %and3A = arith.andi %ne3A, %ne3A_672 : i1
    %sub3A = arith.constant 1 : i32
    %sub3A_673 = arith.subi %div3A, %sub3A : i32
    %select_n3A = arith.select %and3A, %sub3A_673, %div3A : i32
    %jit3A_674 = arith.constant 8 : i32
    %eq3A = arith.constant 0 : i32
    %eq3A_675 = arith.cmpi eq, %jit3A_674, %eq3A : i32
    %jit3A_676 = arith.constant 1 : i32
    %select_n3A_677 = arith.select %eq3A_675, %jit3A_676, %jit3A_674 : i32
    %rem3A_678 = arith.remsi %add3A, %select_n3A_677 : i32
    %ne3A_679 = arith.constant 0 : i32
    %ne3A_680 = arith.cmpi ne, %rem3A_678, %ne3A_679 : i32
    %lt3A = arith.constant 0 : i32
    %lt3A_681 = arith.cmpi slt, %rem3A_678, %lt3A : i32
    %lt3A_682 = arith.constant 0 : i32
    %lt3A_683 = arith.cmpi slt, %select_n3A_677, %lt3A_682 : i32
    %ne3A_684 = arith.xori %lt3A_681, %lt3A_683 : i1
    %and3A_685 = arith.andi %ne3A_684, %ne3A_680 : i1
    %add3A_686 = arith.addi %rem3A_678, %select_n3A_677 : i32
    %select_n3A_687 = arith.select %and3A_685, %add3A_686, %rem3A_678 : i32
    %eq3A_688 = arith.constant 0 : i32
    %eq3A_689 = arith.cmpi eq, %select_n3A_687, %eq3A_688 : i32
    %convert_element_type3A = arith.extui %eq3A_689 : i1 to i32
    %cond3A = arith.constant 0 : i32
    %cond3A_690 = arith.cmpi ne, %convert_element_type3A, %cond3A : i32
    scf.if %cond3A_690 {
      %mul3A_691 = arith.constant 16 : i32
      %mul3A_692 = arith.muli %select_n3A, %mul3A_691 : i32
      "tpu.region"() ({
        %run_scoped3A = tpu.sem_alloc : memref<!tpu.dma_semaphore, #tpu.memory_space<semaphore_mem>>
        %dma_start3A_705 = tpu.memref_slice %arg3[%mul3A_692] : memref<64xi32, #tpu.memory_space<hbm>> -> memref<16xi32, #tpu.memory_space<hbm>>
        %dma_start3A_706 = tpu.memref_slice %arg3[%mul3A_692] : memref<64xi32, #tpu.memory_space<hbm>> -> memref<16xi32, #tpu.memory_space<hbm>>
        tpu.enqueue_dma source(%dma_start3A_706 : memref<16xi32, #tpu.memory_space<hbm>>) target(%arg9 : memref<16xi32, #tpu.memory_space<vmem>>) target_semaphore(%run_scoped3A : memref<!tpu.dma_semaphore, #tpu.memory_space<semaphore_mem>>)
        %dma_wait3A_707 = tpu.memref_slice %arg3[%mul3A_692] : memref<64xi32, #tpu.memory_space<hbm>> -> memref<16xi32, #tpu.memory_space<hbm>>
        %dma_wait3A_708 = tpu.memref_slice %arg3[%mul3A_692] : memref<64xi32, #tpu.memory_space<hbm>> -> memref<16xi32, #tpu.memory_space<hbm>>
        tpu.wait_dma2 semaphore(%run_scoped3A : memref<!tpu.dma_semaphore, #tpu.memory_space<semaphore_mem>>) src(%dma_wait3A_708 : memref<16xi32, #tpu.memory_space<hbm>>) dst(%arg9 : memref<16xi32, #tpu.memory_space<vmem>>)
        tpu.yield
      }) : () -> ()
      %dma_start3A_693 = arith.constant 0 : i32
      %dma_start3A_694 = tpu.memref_slice %arg12[%dma_start3A_693] : memref<65536xi32, #tpu.memory_space<vmem_shared>> -> memref<65536xi32, #tpu.memory_space<vmem_shared>>
      tpu.enqueue_indirect_dma source(%dma_start3A_694 : memref<65536xi32, #tpu.memory_space<vmem_shared>>) target(%arg10 : memref<16xi32, #tpu.memory_space<vmem>>) offsets(%arg9 : memref<16xi32, #tpu.memory_space<vmem>>) semaphore(%arg13 : memref<!tpu.dma_semaphore, #tpu.memory_space<semaphore_mem>>)
      %dma_wait3A_695 = arith.constant 0 : i32
      %dma_wait3A_696 = tpu.memref_slice %arg12[%dma_wait3A_695] : memref<65536xi32, #tpu.memory_space<vmem_shared>> -> memref<65536xi32, #tpu.memory_space<vmem_shared>>
      tpu.wait_indirect_dma semaphore(%arg13 : memref<!tpu.dma_semaphore, #tpu.memory_space<semaphore_mem>>) src(%dma_wait3A_696 : memref<65536xi32, #tpu.memory_space<vmem_shared>>) dst(%arg10 : memref<16xi32, #tpu.memory_space<vmem>>)
      %get3A_697 = arith.constant 0 : index
      %get3A_698 = tpu.vector_load %arg10[%get3A_697] {strides = array<i32>} : memref<16xi32, #tpu.memory_space<vmem>>, vector<16xi32>,
      %get3A_699 = vector.shape_cast %get3A_698 : vector<16xi32> to vector<16xi32>
      %swap3A = arith.constant 0 : i32
      %swap3A_700 = arith.index_cast %swap3A : i32 to index
      %swap3A_701 = arith.constant 0 : index
      %swap3A_702 = tpu.vector_load %arg8[%swap3A_700, %swap3A_701] {strides = array<i32>} : memref<8x128xi32, #tpu.memory_space<vmem>>, vector<1x16xi32>,
      %swap3A_703 = vector.shape_cast %swap3A_702 : vector<1x16xi32> to vector<16xi32>
      %swap3A_704 = vector.shape_cast %get3A_699 : vector<16xi32> to vector<1x16xi32>
      tpu.vector_store %arg8[%swap3A_700, %swap3A_701], %swap3A_704 {strides = array<i32>} : memref<8x128xi32, #tpu.memory_space<vmem>>, vector<1x16xi32>,
    } else {
    }
    "tpu.region"() ({
      %run_scoped3A = tpu.sem_alloc : memref<!tpu.dma_semaphore, #tpu.memory_space<semaphore_mem>>
      %dma_start3A_691 = arith.constant 0 : i32
      %dma_start3A_692 = tpu.memref_slice %arg4[%mul3A_648, %dma_start3A_691] : memref<256x128xi32, #tpu.memory_space<hbm>> -> memref<8x128xi32, #tpu.memory_space<hbm>>
      %dma_start3A_693 = arith.constant 0 : i32
      %dma_start3A_694 = tpu.memref_slice %arg4[%mul3A_648, %dma_start3A_693] : memref<256x128xi32, #tpu.memory_space<hbm>> -> memref<8x128xi32, #tpu.memory_space<hbm>>
      tpu.enqueue_dma source(%arg8 : memref<8x128xi32, #tpu.memory_space<vmem>>) target(%dma_start3A_694 : memref<8x128xi32, #tpu.memory_space<hbm>>) target_semaphore(%run_scoped3A : memref<!tpu.dma_semaphore, #tpu.memory_space<semaphore_mem>>)
      %dma_wait3A_695 = arith.constant 0 : i32
      %dma_wait3A_696 = tpu.memref_slice %arg4[%mul3A_648, %dma_wait3A_695] : memref<256x128xi32, #tpu.memory_space<hbm>> -> memref<8x128xi32, #tpu.memory_space<hbm>>
      %dma_wait3A_697 = arith.constant 0 : i32
      %dma_wait3A_698 = tpu.memref_slice %arg4[%mul3A_648, %dma_wait3A_697] : memref<256x128xi32, #tpu.memory_space<hbm>> -> memref<8x128xi32, #tpu.memory_space<hbm>>
      tpu.wait_dma2 semaphore(%run_scoped3A : memref<!tpu.dma_semaphore, #tpu.memory_space<semaphore_mem>>) src(%arg8 : memref<8x128xi32, #tpu.memory_space<vmem>>) dst(%dma_wait3A_698 : memref<8x128xi32, #tpu.memory_space<hbm>>)
      tpu.yield
    }) : () -> ()
    return
  }
}

module attributes {stable_mosaic.version = 14 : i64} {
  func.func @_decode_block(%arg0: i32, %arg1: memref<4x16x768xf32, #tpu.memory_space<vmem>>, %arg2: memref<768x4xf32, #tpu.memory_space<vmem>>, %arg3: memref<1xf32, #tpu.memory_space<smem>>, %arg4: memref<64x1xi32, #tpu.memory_space<vmem>>) attributes {dimension_semantics = [#tpu.dimension_semantics<arbitrary>], iteration_bounds = array<i64: 1>, scalar_prefetch = 0 : i64, scratch_operands = 0 : i64, tpu.core_type = #tpu.core_type<tc>, window_params = [{transform_indices = @transform_0, window_bounds = array<i64: 4, 16, 768>}, {pipeline_mode = #tpu.pipeline_mode<synchronous>, transform_indices = @transform_1, window_bounds = array<i64: 768, 4>}, {transform_indices = @transform_2, window_bounds = array<i64: 1>}, {pipeline_mode = #tpu.pipeline_mode<synchronous>, transform_indices = @transform_3, window_bounds = array<i64: 64, 1>}]} {
    %get3A = arith.constant 0 : index
    %get3A_0 = arith.constant 0 : index
    %get3A_1 = arith.constant 0 : index
    %get3A_2 = vector.load %arg1[%get3A, %get3A_0, %get3A_1] : memref<4x16x768xf32, #tpu.memory_space<vmem>>, vector<4x16x768xf32>
    %reshape3A = vector.shape_cast %get3A_2 : vector<4x16x768xf32> to vector<64x768xf32>
    %get3A_3 = arith.constant 0 : index
    %get3A_4 = arith.constant 0 : index
    %get3A_5 = vector.load %arg2[%get3A_3, %get3A_4] : memref<768x4xf32, #tpu.memory_space<vmem>>, vector<768x4xf32>
    %dot_general3A = arith.constant dense<0.000000e+00> : vector<64x4xf32>
    %dot_general3A_6 = tpu.matmul %reshape3A, %get3A_5, %dot_general3A {dimension_numbers = #tpu.dot_dimension_numbers<[1], [0], [0], [1], [0, 0, 1, 1], [], []>, transpose_lhs_hint = false} : vector<64x768xf32>, vector<768x4xf32>, vector<64x4xf32> -> vector<64x4xf32>
    %slice3A = vector.extract_strided_slice %dot_general3A_6 {offsets = [0, 0], sizes = [64, 2], strides = [1, 1]} : vector<64x4xf32> to vector<64x2xf32>
    %slice3A_7 = vector.extract_strided_slice %dot_general3A_6 {offsets = [0, 2], sizes = [64, 2], strides = [1, 1]} : vector<64x4xf32> to vector<64x2xf32>
    %atan23A = math.atan2 %slice3A, %slice3A_7 : vector<64x2xf32>
    %iota3A = tpu.iota {dimensions = array<i32: 0>} : vector<64x1xi32>
    %jit3A = arith.constant 16 : i32
    %eq3A = arith.constant 0 : i32
    %eq3A_8 = arith.cmpi eq, %jit3A, %eq3A : i32
    %jit3A_9 = arith.constant 1 : i32
    %select_n3A = arith.select %eq3A_8, %jit3A_9, %jit3A : i32
    %rem3A = vector.broadcast %select_n3A : i32 to vector<64x1xi32>
    %rem3A_10 = arith.remsi %iota3A, %rem3A : vector<64x1xi32>
    %ne3A = arith.constant 0 : i32
    %ne3A_11 = vector.broadcast %ne3A : i32 to vector<64x1xi32>
    %ne3A_12 = arith.cmpi ne, %rem3A_10, %ne3A_11 : vector<64x1xi32>
    %lt3A = arith.constant 0 : i32
    %lt3A_13 = vector.broadcast %lt3A : i32 to vector<64x1xi32>
    %lt3A_14 = arith.cmpi slt, %rem3A_10, %lt3A_13 : vector<64x1xi32>
    %lt3A_15 = arith.constant 0 : i32
    %lt3A_16 = arith.cmpi slt, %select_n3A, %lt3A_15 : i32
    %ne3A_17 = vector.broadcast %lt3A_16 : i1 to vector<64x1xi1>
    %ne3A_18 = vector.broadcast %ne3A_17 : vector<64x1xi1> to vector<64x1xi1>
    %ne3A_19 = arith.xori %lt3A_14, %ne3A_18 : vector<64x1xi1>
    %and3A = arith.andi %ne3A_19, %ne3A_12 : vector<64x1xi1>
    %add3A = vector.broadcast %select_n3A : i32 to vector<64x1xi32>
    %add3A_20 = arith.addi %rem3A_10, %add3A : vector<64x1xi32>
    %select_n3A_21 = arith.select %and3A, %add3A_20, %rem3A_10 : vector<64x1xi1>, vector<64x1xi32>
    %convert_element_type3A = arith.sitofp %select_n3A_21 : vector<64x1xi32> to vector<64x1xf32>
    %max3A = arith.constant 9.99999997E-7 : f32
    %max3A_22 = vector.broadcast %max3A : f32 to vector<64x1xf32>
    %max3A_23 = arith.maximumf %convert_element_type3A, %max3A_22 : vector<64x1xf32>
    %slice3A_24 = vector.extract_strided_slice %atan23A {offsets = [0, 0], sizes = [64, 1], strides = [1, 1]} : vector<64x2xf32> to vector<64x1xf32>
    %mul3A = arith.constant 6.28318548 : f32
    %mul3A_25 = vector.broadcast %mul3A : f32 to vector<64x1xf32>
    %mul3A_26 = arith.mulf %mul3A_25, %max3A_23 : vector<64x1xf32>
    %div3A = arith.divf %slice3A_24, %mul3A_26 : vector<64x1xf32>
    %slice3A_27 = vector.extract_strided_slice %atan23A {offsets = [0, 1], sizes = [64, 1], strides = [1, 1]} : vector<64x2xf32> to vector<64x1xf32>
    %mul3A_28 = arith.constant 12.566371 : f32
    %mul3A_29 = vector.broadcast %mul3A_28 : f32 to vector<64x1xf32>
    %mul3A_30 = arith.mulf %mul3A_29, %max3A_23 : vector<64x1xf32>
    %div3A_31 = arith.divf %slice3A_27, %mul3A_30 : vector<64x1xf32>
    %add3A_32 = arith.addf %div3A, %div3A_31 : vector<64x1xf32>
    %mul3A_33 = arith.constant 5.000000e-01 : f32
    %mul3A_34 = vector.broadcast %mul3A_33 : f32 to vector<64x1xf32>
    %mul3A_35 = arith.mulf %add3A_32, %mul3A_34 : vector<64x1xf32>
    %jit3A_36 = arith.constant 0.000000e+00 : f32
    %jit3A_37 = arith.constant 1.000000e+00 : f32
    %max3A_38 = vector.broadcast %jit3A_36 : f32 to vector<64x1xf32>
    %max3A_39 = arith.maximumf %max3A_38, %mul3A_35 : vector<64x1xf32>
    %min3A = vector.broadcast %jit3A_37 : f32 to vector<64x1xf32>
    %min3A_40 = arith.minimumf %min3A, %max3A_39 : vector<64x1xf32>
    %get3A_41 = arith.constant 0 : index
    %get3A_42 = memref.load %arg3[%get3A_41] : memref<1xf32, #tpu.memory_space<smem>>
    %mul3A_43 = vector.broadcast %get3A_42 : f32 to vector<64x1xf32>
    %mul3A_44 = arith.mulf %min3A_40, %mul3A_43 : vector<64x1xf32>
    %exp3A = math.exp %mul3A_44 : vector<64x1xf32>
    %sub3A = arith.constant 1.000000e+00 : f32
    %sub3A_45 = vector.broadcast %sub3A : f32 to vector<64x1xf32>
    %sub3A_46 = arith.subf %exp3A, %sub3A_45 : vector<64x1xf32>
    %ceil3A = math.ceil %sub3A_46 : vector<64x1xf32>
    %convert_element_type3A_47 = arith.fptosi %ceil3A : vector<64x1xf32> to vector<64x1xi32>
    %jit3A_48 = arith.constant 1 : i32
    %jit3A_49 = arith.constant 50256 : i32
    %max3A_50 = vector.broadcast %jit3A_48 : i32 to vector<64x1xi32>
    %max3A_51 = arith.maxsi %max3A_50, %convert_element_type3A_47 : vector<64x1xi32>
    %min3A_52 = vector.broadcast %jit3A_49 : i32 to vector<64x1xi32>
    %min3A_53 = arith.minsi %min3A_52, %max3A_51 : vector<64x1xi32>
    %convert_element_type3A_54 = arith.sitofp %min3A_53 : vector<64x1xi32> to vector<64x1xf32>
    %sub3A_55 = arith.subf %exp3A, %convert_element_type3A_54 : vector<64x1xf32>
    %abs3A = math.absf %sub3A_55 : vector<64x1xf32>
    %add3A_56 = arith.constant 1.000000e+00 : f32
    %add3A_57 = vector.broadcast %add3A_56 : f32 to vector<64x1xf32>
    %add3A_58 = arith.addf %convert_element_type3A_54, %add3A_57 : vector<64x1xf32>
    %sub3A_59 = arith.subf %add3A_58, %exp3A : vector<64x1xf32>
    %abs3A_60 = math.absf %sub3A_59 : vector<64x1xf32>
    %lt3A_61 = arith.cmpf olt, %abs3A_60, %abs3A : vector<64x1xf32>
    %sub3A_62 = arith.constant 1 : i32
    %sub3A_63 = vector.broadcast %sub3A_62 : i32 to vector<64x1xi32>
    %sub3A_64 = arith.subi %min3A_53, %sub3A_63 : vector<64x1xi32>
    %select_n3A_65 = arith.select %lt3A_61, %min3A_53, %sub3A_64 : vector<64x1xi1>, vector<64x1xi32>
    %swap3A = arith.constant 0 : index
    %swap3A_66 = arith.constant 0 : index
    %swap3A_67 = vector.load %arg4[%swap3A, %swap3A_66] : memref<64x1xi32, #tpu.memory_space<vmem>>, vector<64x1xi32>
    tpu.vector_store %arg4[%swap3A, %swap3A_66], %select_n3A_65 {strides = array<i32>} : memref<64x1xi32, #tpu.memory_space<vmem>>, vector<64x1xi32>,
    return
  }
  func.func @transform_0(%arg0: i32) -> (i32, i32, i32) {
    %c0_i32 = arith.constant 0 : i32
    %c0_i32_0 = arith.constant 0 : i32
    %c0_i32_1 = arith.constant 0 : i32
    %c0_i32_2 = arith.constant 0 : i32
    return %c0_i32, %c0_i32_0, %c0_i32_1 : i32, i32, i32
  }
  func.func @transform_1(%arg0: i32) -> (i32, i32) {
    %c0_i32 = arith.constant 0 : i32
    %c0_i32_0 = arith.constant 0 : i32
    %c0_i32_1 = arith.constant 0 : i32
    return %c0_i32, %c0_i32_0 : i32, i32
  }
  func.func @transform_2(%arg0: i32) -> i32 {
    %c0_i32 = arith.constant 0 : i32
    %c0_i32_0 = arith.constant 0 : i32
    return %c0_i32 : i32
  }
  func.func @transform_3(%arg0: i32) -> (i32, i32) {
    %c0_i32 = arith.constant 0 : i32
    %c0_i32_0 = arith.constant 0 : i32
    %c0_i32_1 = arith.constant 0 : i32
    return %c0_i32, %c0_i32_0 : i32, i32
  }
}

</mosaic_0001>

<sc_bundles>
// kernel: kernel.4.cloned.1.call-start
scs
__scs_entry_jumppad:
0x0: {  	(pc) =	sbr.rel $0x88, $3  }
0x1: {  	(tag) =	ssettag $0x0;
	lr =	simm.s32 $0x1  }
0x2: {  	[smem:$0x3F9E] =	sst lr;
	_ =	strace $0xD0000000  }
0x3: {  	_ = 	snop  }
0x4: {  	_ = 	snop  }
0x5: {  	_ = 	snop  }
0x6: {  	_ = 	snop  }
0x7: {  	_ = 	snop  }
__scs_overlays_trampoline_lowered:
0x8: {  	[smem:$0x3FAD] =	sst s0  }
0x9: {  	[smem:$0x3FAE] =	sst s1  }
0xa: {  	[smem:$0x3FAF] =	sst s2  }
0xb: {  	[smem:$0x3FB0] =	sst s3  }
0xc: {  	[smem:$0x3FB1] =	sst s4  }
0xd: {  	[smem:$0x3FB2] =	sst s5  }
0xe: {  	[smem:$0x3FB3] =	sst s6  }
0xf: {  	[smem:$0x3FB4] =	sst s7  }
0x10: {  	[smem:$0x3FB5] =	sst s8  }
0x11: {  	[smem:$0x3FB6] =	sst s9;
	s0 =	simm.s32 @!p0 $0x0  }
0x12: {  	s1 =	sld [smem:$0x3F9C];
	s0 =	simm.s32 @p0 $0x1  }
0x13: {  	[smem:$0x3FB7] =	sst s0;
	s0 =	simm.s32 @!p1 $0x0  }
0x14: {  	s2 =	sld [smem:$0x3F9B];
	s0 =	simm.s32 @p1 $0x1  }
0x15: {  	[smem:$0x3FB8] =	sst s0;
	s0 =	simm.s32 @!p2 $0x0  }
0x16: {  	s3 =	sld [smem:$0x3FDB];
	s0 =	simm.s32 @p2 $0x1  }
0x17: {  	s4 =	simm.s32 $0x1BF5;
	[smem:$0x3FBA] =	sst s0  }
0x18: {  	s0 =	sld [smem:$0x3F9D];
	_ =	swait.ge [sflag:s4], $0x0  }
0x19: {  	s7 =	sld [smem:$0x3F9E]  }
0x1a: {  	s8 =	sadd.s32 $0xFFFFE003, lr  }
0x1b: {  	s9 =	sadd.s32 $0xFFFFFEF7, lr;
	s5 =	simm.s32 $0xFFFFFFFF;
	p2 =	slt.u32 s8, $0xFFFFF086  }
0x1c: {  	p1 =	slt.u32 s9, $0xF7A;
	s5 =	simm.s32 @!p2 $0x0  }
0x1d: {  	s5 =	simm.s32 @p1 $0x1;
	p0 =	seq.s32 s7, s2  }
0x1e: {  	s7 =	smul.u32 @!p0 $0xF7A, s2;
	p2 =	seq.s32 @!p0 s5, $0x0  }
0x1f: {  	s9 =	smul.u32 $0xF7A, s1;
	s8 =	simm.s32 @!p0 $0x1BF5;
	p2 =	por !p2, p0  }
0x20: {  	[sflag:s8] =	ssyncset.s32 @!p0 $0xFFFFF086;
	s6 =	sadd.s32 @!p0 s3, s7;
	s7 =	simm.s32 @!p0 $0x108  }
0x21: {  	s3 =	sadd.s32 s3, s9;
	s6 =	sadd.s32 @!p0 $0x88, s6;
	s7 =	simm.s32 @p2 $0x1082  }
0x22: {  	[simem:s7], [sflag:s8] =	dma.local @!p0 [hbm:s6], $0xF7A  }
0x23: {  	s9 =	sor.u32 $0xD0000000, s2;
	s6 =	simm.s32 $0x108;
	_ =	swait.ge @!p0 [sflag:s8], $0x0  }
0x24: {  	s3 =	sadd.s32 $0x88, s3;
	s6 =	simm.s32 @!p1 $0x1082;
	[sflag:s4] =	ssyncset.s32 $0xFFFFF086  }
0x25: {  	[simem:s6], [sflag:s4] =	dma.local [hbm:s3], $0xF7A  }
0x26: {  	[smem:$0x3F9E] =	sst s1;
	(tag) =	ssettag s2;
	_ =	strace s9  }
0x27: {  	s1 =	sld [smem:$0x3FAE]  }
0x28: {  	s2 =	sld [smem:$0x3FAF]  }
0x29: {  	s4 =	sld [smem:$0x3FB1]  }
0x2a: {  	p0 =	seq.s32 s5, $0x0;
	s5 =	sld [smem:$0x3FB2]  }
0x2b: {  	s6 =	sld [smem:$0x3FB3]  }
0x2c: {  	s7 =	sld [smem:$0x3FB4]  }
0x2d: {  	s3 =	simm.s32 $0x108;
	s8 =	sld [smem:$0x3FB5]  }
0x2e: {  	s3 =	simm.s32 @!p0 $0x1082;
	s9 =	sld [smem:$0x3FB6]  }
0x2f: {  	lr =	sadd.s32 s0, s3;
	s0 =	sld [smem:$0x3FAD]  }
0x30: {  	s3 =	sld [smem:$0x3FB0]  }
0x31: {  	[smem:$0x3FB9] =	sst s10  }
0x32: {  	s10 =	sld [smem:$0x3FB7];
	_ =	sdelay $0x3  }
0x33: {  	p0 =	seq.s32 s10, $0x1;
	s10 =	sld [smem:$0x3FB9];
	_ =	sdelay $0x3  }
0x34: {  	[smem:$0x3FB9] =	sst s10  }
0x35: {  	s10 =	sld [smem:$0x3FB8];
	_ =	sdelay $0x3  }
0x36: {  	p1 =	seq.s32 s10, $0x1;
	s10 =	sld [smem:$0x3FB9];
	_ =	sdelay $0x3  }
0x37: {  	[smem:$0x3FB9] =	sst s10  }
0x38: {  	s10 =	sld [smem:$0x3FBA]  }
0x39: {  	_ = 	snop;
	(pc) =	sbr.ind lr, $3  }
0x3a: {  	_ = 	snop  }
0x3b: {  	_ = 	snop  }
0x3c: {  	p2 =	seq.s32 s10, $0x1;
	s10 =	sld [smem:$0x3FB9]  }
0x3d: {  	_ =	shalt  }
0x3e: {  	_ =	shalt  }
0x3f: {  	_ =	shalt  }
0x40: {  	_ =	shalt  }
0x41: {  	_ =	shalt  }
0x42: {  	_ =	shalt  }
0x43: {  	_ =	shalt  }
0x44: {  	_ =	shalt  }
0x45: {  	_ =	shalt  }
0x46: {  	_ =	shalt  }
0x47: {  	_ =	shalt  }
0x48: {  	_ =	shalt  }
0x49: {  	_ =	shalt  }
0x4a: {  	_ =	shalt  }
0x4b: {  	_ =	shalt  }
0x4c: {  	_ =	shalt  }
0x4d: {  	_ =	shalt  }
0x4e: {  	_ =	shalt  }
0x4f: {  	_ =	shalt  }
0x50: {  	_ =	shalt  }
0x51: {  	_ =	shalt  }
0x52: {  	_ =	shalt  }
0x53: {  	_ =	shalt  }
0x54: {  	_ =	shalt  }
0x55: {  	_ =	shalt  }
0x56: {  	_ =	shalt  }
0x57: {  	_ =	shalt  }
0x58: {  	_ =	shalt  }
0x59: {  	_ =	shalt  }
0x5a: {  	_ =	shalt  }
0x5b: {  	_ =	shalt  }
0x5c: {  	_ =	shalt  }
0x5d: {  	_ =	shalt  }
0x5e: {  	_ =	shalt  }
0x5f: {  	_ =	shalt  }
0x60: {  	_ =	shalt  }
0x61: {  	_ =	shalt  }
0x62: {  	_ =	shalt  }
0x63: {  	_ =	shalt  }
0x64: {  	_ =	shalt  }
0x65: {  	_ =	shalt  }
0x66: {  	_ =	shalt  }
0x67: {  	_ =	shalt  }
0x68: {  	_ =	shalt  }
0x69: {  	_ =	shalt  }
0x6a: {  	_ =	shalt  }
0x6b: {  	_ =	shalt  }
0x6c: {  	_ =	shalt  }
0x6d: {  	_ =	shalt  }
0x6e: {  	_ =	shalt  }
0x6f: {  	_ =	shalt  }
0x70: {  	_ =	shalt  }
0x71: {  	_ =	shalt  }
0x72: {  	_ =	shalt  }
0x73: {  	_ =	shalt  }
0x74: {  	_ =	shalt  }
0x75: {  	_ =	shalt  }
0x76: {  	_ =	shalt  }
0x77: {  	_ =	shalt  }
0x78: {  	_ =	shalt  }
0x79: {  	_ =	shalt  }
0x7a: {  	_ =	shalt  }
0x7b: {  	_ =	shalt  }
0x7c: {  	_ =	shalt  }
0x7d: {  	_ =	shalt  }
0x7e: {  	_ =	shalt  }
0x7f: {  	_ =	shalt  }
0x80: {  	_ =	shalt  }
0x81: {  	_ =	shalt  }
0x82: {  	_ =	shalt  }
0x83: {  	_ =	shalt  }
0x84: {  	_ =	shalt  }
0x85: {  	_ =	shalt  }
0x86: {  	_ =	shalt  }
0x87: {  	_ =	shalt  }
.Lfunc_end0:
.L_simem_size_0:
called_computation_lowered:
.L_overlay_start_0:
0x88: {  	s2 =	sld [smem:$0x3FD9]  }
0x89: {  	s3 =	sld [smem:$0x3FFE];
	_ =	sdelay $0x1  }
0x8a: {  	s1 =	srdreg.scid  }
0x8b: {  	s0 =	sand.u32 $0x1, s1  }
0x8c: {  	s17 =	sshll.u32 s0, $0xA;
	s2 =	sadd.s32 s3, s2  }
0x8d: {  	s2 =	sadd.s32 s2, s17  }
0x8e: {  	[smem:$0x3FC5] =	sst s2  }
0x8f: {  	_ = 	snop  }
0x90: {  	s2 =	sld [smem:$0x3FD0];
	(tm) =	ssettm $0x1  }
0x91: {  	s18 =	sld [smem:$0x3FFB];
	_ =	sdelay $0x3  }
0x92: {  	_ =	strace s18  }
0x93: {  	s3 =	sld [smem:$0x3FFC];
	_ =	sdelay $0x3  }
0x94: {  	_ =	strace s3  }
0x95: {  	s3 =	sld [smem:$0x3FFD];
	_ =	sdelay $0x3  }
0x96: {  	_ =	strace s3  }
0x97: {  	_ =	strace $0x8FFFFFFF  }
0x98: {  	s19 =	sld [smem:$0x3FDB];
	_ =	sdelay $0x1  }
0x99: {  	s4 =	simm.s32 $_scs_section_size  }
0x9a: {  	s5 =	simm.s32 $_size__tile_overlayer_lowered;
	s6 =	simm.s32 $_tile_overlayer_lowered  }
0x9b: {  	s22 =	simm.s32 $0x1BFF;
	s21 =	sshll.u32 s6, $0x1;
	s3 =	sadd.s32 s4, s19  }
0x9c: {  	s7 =	simm.s32 $0x0;
	s20 =	sshll.u32 s5, $0x1;
	s5 =	sadd.s32 s21, s3  }
0x9d: {  	[timem:s7], [sflag:s22] =	dma.local [hbm:s5], s20  }
0x9e: {  	_ =	swait.ge [sflag:s22], s20  }
0x9f: {  	s4 =	ssub.s32 $0x0, s20;
	[sflag:s22] =	ssyncset.done $0x0  }
0xa0: {  	[sflag:s22] =	ssyncadd.s32 s4;
	_ =	sdelay $0x1  }
0xa1: {  	s23 =	simm.s32 $0x1B8B  }
0xa2: {  	_ =	swait.ge [sflag:s23], $0x1  }
0xa3: {  	[sflag:s23] =	ssyncset.done $0x0  }
0xa4: {  	s25 =	simm.s32 $0x1B8E;
	s24 =	sld [smem:$0x3FFE];
	[sflag:s23] =	ssyncadd.s32 $0xFFFFFFFF  }
0xa5: {  	s26 =	simm.s32 $execute0_lowered;
	[smem:$0x3FD2] =	sst s25  }
0xa6: {  	s5 =	sshll.u32 s26, $0x1;
	_ =	strace $0x80000046;
	[dreg:$0x1] =	wrdreg $0xFFFFFFFF  }
0xa7: {  	s28 =	simm.s32 $_size_execute0_lowered;
	s3 =	sadd.s32 s3, s5;
	[dreg:$0x0] =	wrdreg $0x0  }
0xa8: {  	s5 =	sshll.u32 s28, $0x1;
	[dreg:$0x2] =	wrdreg s3  }
0xa9: {  	[dreg:$0x3] =	wrdreg s5  }
0xaa: {  	[dreg:$0x4] =	wrdreg $0xC0  }
0xab: {  	_ =	task [dreg:s7], $0x5FFFF  }
0xac: {  	[dreg:$0x1] =	wrdreg $0xFFFFFFFF  }
0xad: {  	[dreg:$0x0] =	wrdreg $0x60  }
0xae: {  	[dreg:$0x2] =	wrdreg s24  }
0xaf: {  	[dreg:$0x3] =	wrdreg s2  }
0xb0: {  	[dreg:$0x4] =	wrdreg $0x35800  }
0xb1: {  	[dreg:$0x5] =	wrdreg $0x9  }
0xb2: {  	_ =	task.clear_ibuf [dreg:s7], $0x6FFFF;
	_ =	strace $0x90000046  }
0xb3: {  	s29 =	simm.s32 $0x9;
	_ =	strace $0x80000048  }
0xb4: {  	_ =	swait.ge [sflag:s29], $0x1  }
0xb5: {  	[sflag:s29] =	ssyncadd.s32 $0xFFFFFFFF  }
0xb6: {  	_ =	strace $0x90000048  }
0xb7: {  	_ =	sfence  }
0xb8: {  	s30 =	sld [smem:$0x0];
	_ =	sdelay $0x2  }
0xb9: {  	s31 =	sshll.u32 s1, $0xD;
	s1 =	sshrl.u32 s1, $0x2  }
0xba: {  	s3 =	sand.u32 $0x4000, s31;
	s1 =	sadd.s32 s1, s30  }
0xbb: {  	s0 =	sor.u32 s3, s0;
	s1 =	sshll.u32 s1, $0x11  }
0xbc: {  	s0 =	sor.u32 s1, s0  }
0xbd: {  	s0 =	sadd.s32 $0x8F2B, s0  }
0xbe: {  	[sflag:s0] =	ssyncadd.remote.s32 $0x1  }
0xbf: {  	_ =	sfence.sel $0xFFFF  }
0xc0: {  	[dreg:$0x0] =	wrdreg $0xFFFFFFFF;
	(pc) =	sbr.abs _section_cstart, $3  }
0xc1: {  	[dreg:$0x1] =	wrdreg $0xFFFFFFFF  }
0xc2: {  	_ =	task.clear_ibuf [dreg:s7], $0x2FFFF;
	_ =	strace $0x9FFFFFFF  }
0xc3: {  	(tm) =	ssettm $0x7FFFFFFF  }
tec
execute0_lowered:
.L_overlay_start_1:
0x0: {  	(tag) =	ssettag $0x1  }
0x1: {  	s0 =	rddreg [dreg:$0x0]  }
0x2: {  	s1 =	rddreg [dreg:$0x1]  }
0x3: {  	s2 =	rddreg [dreg:$0x2];
	s3 =	simm.s32 $0x0  }
0x4: {  	s9 =	stileid.u32;
	s4 =	srdreg.scid;
	s28 =	simm.s32 $0x1F00  }
0x5: {  	s29 =	simm.s32 $0x2F00;
	s30 =	simm.s32 $0x1F80;
	s31 =	simm.s32 $0x2F80  }
0x6: {  	s11 =	simm.s32 $0x3000;
	s12 =	simm.s32 $0x0;
	[smem:$0x7FF] =	sst s3  }
0x7: {  	s4 =	sand.u32 $0x1, s4;
	s5 =	sshll.u32 s9, $0x1;
	s6 =	sshll.u32 s9, $0x9  }
0x8: {  	s26 =	sshrl.u32 s9, $0x1;
	_ =	strace $0x80000047;
	s7 =	sor.u32 s4, s5  }
0x9: {  	s4 =	ssub.s32 $0x2, s4;
	s24 =	sadd.s32 s6, s0;
	s5 =	sshll.u32 s9, $0xC  }
0xa: {  	s6 =	sand.u32 $0x6, s26;
	s9 =	simm.s32 $0x2;
	s26 =	simm.s32 $0x2E80  }
0xb: {  	s25 =	sshll.u32 s7, $0x7;
	s8 =	sshrl.u32 s4, $0x1;
	s10 =	sand.u32 $0x7, s7  }
0xc: {  	s6 =	sadd.s32 s1, s6;
	s1 =	simm.s32 $0x3500;
	s0 =	sadd.s32 s25, s0  }
0xd: {  	s8 =	ssub.s32 s4, s8;
	s4 =	sadd.s32 $0x800, s24;
	p0 =	sne.s32 s10, $0x0  }
0xe: {  	s10 =	simm.s32 $0x80;
	s24 =	simm.s32 $0x2E00;
	s25 =	simm.s32 $0x1E80  }
0xf: {  	v0 =	vlaneseq.u32;
	s7 =	sadd.s32 $0x2800, s0;
	s8 =	smax.u32 s8, $0x1;
	s0 =	simm.s32 $0x1  }
.LBB2_1:
0x10: {  	[tilespmem:s3], [sflag:$0x2] =	stream.linear.gather [hbm4b:s4+s3], $0x1000, $0x38;
	[tilespmem:$0x4580] =	vst v63  }
0x11: {  	_ =	swait.ge [sflag:s9], $0x1000  }
0x12: {  	[sflag:s9] =	ssyncset.done $0x0  }
0x13: {  	s13 =	simm.s32 $0x40;
	[sflag:s9] =	ssyncadd.s32 $0xFFFFF000  }
0x14: {  	v1 =	vld [tilespmem:s13+$0xFFFFFFC0];
	_ =	sdelay $0x4  }
0x15: {  	v1 =	vtrunc.f32 v1  }
0x16: {  	v1 =	vcvt.f32.s32 v1;
	_ =	sdelay $0x1  }
0x17: {  	s14 =	simm.s32 $0x1040;
	s16 =	sadd.s32 $0x0, s5;
	v1 =	vadd.s32 $0xFFFFFFFF, v1  }
0x18: {  	s15 =	simm.s32 $0x2040;
	[tilespmem:s14+$0xFFFFFFC0] =	vst v1;
	v1 =	vor.u32 s16, v0  }
0x19: {  	[tilespmem:s15+$0xFFFFFFC0] =	vst v1  }
0x1a: {  	v1 =	vld [tilespmem:s13+$0xFFFFFFD0];
	_ =	sdelay $0x4  }
0x1b: {  	v1 =	vtrunc.f32 v1  }
0x1c: {  	v1 =	vcvt.f32.s32 v1;
	_ =	sdelay $0x1  }
0x1d: {  	s17 =	sadd.s32 $0x10, s16;
	v1 =	vadd.s32 $0xFFFFFFFF, v1  }
0x1e: {  	[tilespmem:s14+$0xFFFFFFD0] =	vst v1;
	v1 =	vor.u32 s17, v0  }
0x1f: {  	[tilespmem:s15+$0xFFFFFFD0] =	vst v1  }
0x20: {  	v1 =	vld [tilespmem:s13+$0xFFFFFFE0];
	_ =	sdelay $0x4  }
0x21: {  	v1 =	vtrunc.f32 v1  }
0x22: {  	v1 =	vcvt.f32.s32 v1;
	_ =	sdelay $0x1  }
0x23: {  	s18 =	sadd.s32 $0x20, s16;
	v1 =	vadd.s32 $0xFFFFFFFF, v1  }
0x24: {  	[tilespmem:s14+$0xFFFFFFE0] =	vst v1;
	v1 =	vor.u32 s18, v0  }
0x25: {  	[tilespmem:s15+$0xFFFFFFE0] =	vst v1  }
0x26: {  	v1 =	vld [tilespmem:s13+$0xFFFFFFF0];
	_ =	sdelay $0x4  }
0x27: {  	v1 =	vtrunc.f32 v1  }
0x28: {  	v1 =	vcvt.f32.s32 v1;
	_ =	sdelay $0x1  }
0x29: {  	s19 =	sadd.s32 $0x30, s16;
	v1 =	vadd.s32 $0xFFFFFFFF, v1  }
0x2a: {  	[tilespmem:s14+$0xFFFFFFF0] =	vst v1;
	v1 =	vor.u32 s19, v0  }
0x2b: {  	[tilespmem:s15+$0xFFFFFFF0] =	vst v1  }
0x2c: {  	v1 =	vld [tilespmem:s13+$0x0];
	_ =	sdelay $0x4  }
0x2d: {  	v1 =	vtrunc.f32 v1  }
0x2e: {  	v1 =	vcvt.f32.s32 v1;
	_ =	sdelay $0x1  }
0x2f: {  	s20 =	sadd.s32 $0x40, s16;
	v1 =	vadd.s32 $0xFFFFFFFF, v1  }
0x30: {  	[tilespmem:s14+$0x0] =	vst v1;
	v1 =	vor.u32 s20, v0  }
0x31: {  	[tilespmem:s15+$0x0] =	vst v1  }
0x32: {  	v1 =	vld [tilespmem:s13+$0x10];
	_ =	sdelay $0x4  }
0x33: {  	v1 =	vtrunc.f32 v1  }
0x34: {  	v1 =	vcvt.f32.s32 v1;
	_ =	sdelay $0x1  }
0x35: {  	s21 =	sadd.s32 $0x50, s16;
	v1 =	vadd.s32 $0xFFFFFFFF, v1  }
0x36: {  	[tilespmem:s14+$0x10] =	vst v1;
	v1 =	vor.u32 s21, v0  }
0x37: {  	[tilespmem:s15+$0x10] =	vst v1  }
0x38: {  	v1 =	vld [tilespmem:s13+$0x20];
	_ =	sdelay $0x4  }
0x39: {  	v1 =	vtrunc.f32 v1  }
0x3a: {  	v1 =	vcvt.f32.s32 v1;
	_ =	sdelay $0x1  }
0x3b: {  	s22 =	sadd.s32 $0x60, s16;
	v1 =	vadd.s32 $0xFFFFFFFF, v1  }
0x3c: {  	[tilespmem:s14+$0x20] =	vst v1;
	v1 =	vor.u32 s22, v0  }
0x3d: {  	[tilespmem:s15+$0x20] =	vst v1  }
0x3e: {  	v1 =	vld [tilespmem:s13+$0x30];
	_ =	sdelay $0x4  }
0x3f: {  	v1 =	vtrunc.f32 v1  }
0x40: {  	v1 =	vcvt.f32.s32 v1;
	_ =	sdelay $0x1  }
0x41: {  	s23 =	sadd.s32 $0x70, s16;
	v1 =	vadd.s32 $0xFFFFFFFF, v1  }
0x42: {  	s16 =	simm.s32 $0x80;
	[tilespmem:s14+$0x30] =	vst v1;
	v1 =	vor.u32 s23, v0  }
.LBB2_2:
0x43: {  	[tilespmem:s15+$0x30] =	vst v1;
	s15 =	sadd.s32 $0x80, s15;
	s14 =	sadd.s32 $0x80, s14;
	s13 =	sadd.s32 $0x80, s13  }
0x44: {  	p1 =	sne.s32 s16, $0xF80;
	s17 =	smov.u32 s16;
	s16 =	sadd.s32 $0x80, s16;
	v1 =	vld [tilespmem:s13+$0xFFFFFFC0]  }
0x45: {  	_ =	sdelay $0x3  }
0x46: {  	v1 =	vtrunc.f32 v1  }
0x47: {  	v1 =	vcvt.f32.s32 v1;
	_ =	sdelay $0x1  }
0x48: {  	s17 =	sadd.s32 s17, s5;
	v1 =	vadd.s32 $0xFFFFFFFF, v1  }
0x49: {  	s21 =	sadd.s32 $0x10, s17;
	s22 =	sadd.s32 $0x20, s17;
	s23 =	sadd.s32 $0x30, s17;
	[tilespmem:s14+$0xFFFFFFC0] =	vst v1;
	v1 =	vor.u32 s17, v0  }
0x4a: {  	s20 =	sadd.s32 $0x40, s17;
	s19 =	sadd.s32 $0x50, s17;
	s18 =	sadd.s32 $0x60, s17;
	[tilespmem:s15+$0xFFFFFFC0] =	vst v1  }
0x4b: {  	s17 =	sadd.s32 $0x70, s17;
	v1 =	vld [tilespmem:s13+$0xFFFFFFD0];
	_ =	sdelay $0x4  }
0x4c: {  	v1 =	vtrunc.f32 v1  }
0x4d: {  	v1 =	vcvt.f32.s32 v1;
	_ =	sdelay $0x1  }
0x4e: {  	v1 =	vadd.s32 $0xFFFFFFFF, v1  }
0x4f: {  	[tilespmem:s14+$0xFFFFFFD0] =	vst v1;
	v1 =	vor.u32 s21, v0  }
0x50: {  	[tilespmem:s15+$0xFFFFFFD0] =	vst v1  }
0x51: {  	v1 =	vld [tilespmem:s13+$0xFFFFFFE0];
	_ =	sdelay $0x4  }
0x52: {  	v1 =	vtrunc.f32 v1  }
0x53: {  	v1 =	vcvt.f32.s32 v1;
	_ =	sdelay $0x1  }
0x54: {  	v1 =	vadd.s32 $0xFFFFFFFF, v1  }
0x55: {  	[tilespmem:s14+$0xFFFFFFE0] =	vst v1;
	v1 =	vor.u32 s22, v0  }
0x56: {  	[tilespmem:s15+$0xFFFFFFE0] =	vst v1  }
0x57: {  	v1 =	vld [tilespmem:s13+$0xFFFFFFF0];
	_ =	sdelay $0x4  }
0x58: {  	v1 =	vtrunc.f32 v1  }
0x59: {  	v1 =	vcvt.f32.s32 v1;
	_ =	sdelay $0x1  }
0x5a: {  	v1 =	vadd.s32 $0xFFFFFFFF, v1  }
0x5b: {  	[tilespmem:s14+$0xFFFFFFF0] =	vst v1;
	v1 =	vor.u32 s23, v0  }
0x5c: {  	[tilespmem:s15+$0xFFFFFFF0] =	vst v1  }
0x5d: {  	v1 =	vld [tilespmem:s13+$0x0];
	_ =	sdelay $0x4  }
0x5e: {  	v1 =	vtrunc.f32 v1  }
0x5f: {  	v1 =	vcvt.f32.s32 v1;
	_ =	sdelay $0x1  }
0x60: {  	v1 =	vadd.s32 $0xFFFFFFFF, v1  }
0x61: {  	[tilespmem:s14+$0x0] =	vst v1;
	v1 =	vor.u32 s20, v0  }
0x62: {  	[tilespmem:s15+$0x0] =	vst v1  }
0x63: {  	v1 =	vld [tilespmem:s13+$0x10];
	_ =	sdelay $0x4  }
0x64: {  	v1 =	vtrunc.f32 v1  }
0x65: {  	v1 =	vcvt.f32.s32 v1;
	_ =	sdelay $0x1  }
0x66: {  	v1 =	vadd.s32 $0xFFFFFFFF, v1  }
0x67: {  	[tilespmem:s14+$0x10] =	vst v1;
	v1 =	vor.u32 s19, v0  }
0x68: {  	[tilespmem:s15+$0x10] =	vst v1  }
0x69: {  	v1 =	vld [tilespmem:s13+$0x20];
	_ =	sdelay $0x4  }
0x6a: {  	v1 =	vtrunc.f32 v1  }
0x6b: {  	v1 =	vcvt.f32.s32 v1;
	_ =	sdelay $0x1  }
0x6c: {  	v1 =	vadd.s32 $0xFFFFFFFF, v1  }
0x6d: {  	[tilespmem:s14+$0x20] =	vst v1;
	v1 =	vor.u32 s18, v0  }
0x6e: {  	[tilespmem:s15+$0x20] =	vst v1  }
0x6f: {  	v1 =	vld [tilespmem:s13+$0x30];
	_ =	sdelay $0x4  }
.Ltmp0:
0x70: {  	v1 =	vtrunc.f32 v1;
	(pc) =	sbr.rel @p1 .LBB2_2-.Ltmp0, $3  }
0x71: {  	v1 =	vcvt.f32.s32 v1;
	_ =	sdelay $0x1  }
0x72: {  	v1 =	vadd.s32 $0xFFFFFFFF, v1  }
0x73: {  	[tilespmem:s14+$0x30] =	vst v1;
	v1 =	vor.u32 s17, v0  }
0x74: {  	[tilespmem:s15+$0x30] =	vst v1;
	s13 =	simm.s32 $0x1000;
	s14 =	simm.s32 $0x2000  }
0x75: {  	[spmem:s2] =	stream.indirect.scatter [tilespmem:s14], [sflag:$0x1], $0x1, s13, s10, $0xb8;
	[tilespmem:$0x4580] =	vst v63  }
0x76: {  	s18 =	simm.s32 $0x1080;
	s19 =	simm.s32 $0x2080  }
0x77: {  	[spmem:s2] =	stream.indirect.scatter [tilespmem:s19], [sflag:$0x1], $0x1, s18, s10, $0xb8;
	[tilespmem:$0x4580] =	vst v63  }
0x78: {  	s20 =	simm.s32 $0x1100;
	s21 =	simm.s32 $0x2100  }
0x79: {  	[spmem:s2] =	stream.indirect.scatter [tilespmem:s21], [sflag:$0x1], $0x1, s20, s10, $0xb8;
	[tilespmem:$0x4580] =	vst v63  }
0x7a: {  	s22 =	simm.s32 $0x1180;
	s23 =	simm.s32 $0x2180  }
0x7b: {  	[spmem:s2] =	stream.indirect.scatter [tilespmem:s23], [sflag:$0x1], $0x1, s22, s10, $0xb8;
	[tilespmem:$0x4580] =	vst v63  }
0x7c: {  	s15 =	simm.s32 $0x2200;
	s14 =	simm.s32 $0x1200  }
0x7d: {  	[spmem:s2] =	stream.indirect.scatter [tilespmem:s15], [sflag:$0x1], $0x1, s14, s10, $0xb8;
	[tilespmem:$0x4580] =	vst v63  }
0x7e: {  	s16 =	simm.s32 $0x1280;
	s17 =	simm.s32 $0x2280  }
0x7f: {  	[spmem:s2] =	stream.indirect.scatter [tilespmem:s17], [sflag:$0x1], $0x1, s16, s10, $0xb8;
	[tilespmem:$0x4580] =	vst v63  }
0x80: {  	s18 =	simm.s32 $0x1300;
	s19 =	simm.s32 $0x2300  }
0x81: {  	[spmem:s2] =	stream.indirect.scatter [tilespmem:s19], [sflag:$0x1], $0x1, s18, s10, $0xb8;
	[tilespmem:$0x4580] =	vst v63  }
0x82: {  	s20 =	simm.s32 $0x1380;
	s21 =	simm.s32 $0x2380  }
0x83: {  	[spmem:s2] =	stream.indirect.scatter [tilespmem:s21], [sflag:$0x1], $0x1, s20, s10, $0xb8;
	[tilespmem:$0x4580] =	vst v63  }
0x84: {  	s22 =	simm.s32 $0x1400;
	s23 =	simm.s32 $0x2400  }
0x85: {  	[spmem:s2] =	stream.indirect.scatter [tilespmem:s23], [sflag:$0x1], $0x1, s22, s10, $0xb8;
	[tilespmem:$0x4580] =	vst v63  }
0x86: {  	s14 =	simm.s32 $0x1480;
	s15 =	simm.s32 $0x2480  }
0x87: {  	[spmem:s2] =	stream.indirect.scatter [tilespmem:s15], [sflag:$0x1], $0x1, s14, s10, $0xb8;
	[tilespmem:$0x4580] =	vst v63  }
0x88: {  	s16 =	simm.s32 $0x1500;
	s17 =	simm.s32 $0x2500  }
0x89: {  	[spmem:s2] =	stream.indirect.scatter [tilespmem:s17], [sflag:$0x1], $0x1, s16, s10, $0xb8;
	[tilespmem:$0x4580] =	vst v63  }
0x8a: {  	s18 =	simm.s32 $0x1580;
	s19 =	simm.s32 $0x2580  }
0x8b: {  	[spmem:s2] =	stream.indirect.scatter [tilespmem:s19], [sflag:$0x1], $0x1, s18, s10, $0xb8;
	[tilespmem:$0x4580] =	vst v63  }
0x8c: {  	s20 =	simm.s32 $0x1600;
	s21 =	simm.s32 $0x2600  }
0x8d: {  	[spmem:s2] =	stream.indirect.scatter [tilespmem:s21], [sflag:$0x1], $0x1, s20, s10, $0xb8;
	[tilespmem:$0x4580] =	vst v63  }
0x8e: {  	s22 =	simm.s32 $0x1680;
	s23 =	simm.s32 $0x2680  }
0x8f: {  	[spmem:s2] =	stream.indirect.scatter [tilespmem:s23], [sflag:$0x1], $0x1, s22, s10, $0xb8;
	[tilespmem:$0x4580] =	vst v63  }
0x90: {  	s14 =	simm.s32 $0x1700;
	s15 =	simm.s32 $0x2700  }
0x91: {  	[spmem:s2] =	stream.indirect.scatter [tilespmem:s15], [sflag:$0x1], $0x1, s14, s10, $0xb8;
	[tilespmem:$0x4580] =	vst v63  }
0x92: {  	s16 =	simm.s32 $0x1780;
	s17 =	simm.s32 $0x2780  }
0x93: {  	[spmem:s2] =	stream.indirect.scatter [tilespmem:s17], [sflag:$0x1], $0x1, s16, s10, $0xb8;
	[tilespmem:$0x4580] =	vst v63  }
0x94: {  	s18 =	simm.s32 $0x1800;
	s19 =	simm.s32 $0x2800  }
0x95: {  	[spmem:s2] =	stream.indirect.scatter [tilespmem:s19], [sflag:$0x1], $0x1, s18, s10, $0xb8;
	[tilespmem:$0x4580] =	vst v63  }
0x96: {  	s20 =	simm.s32 $0x1880;
	s21 =	simm.s32 $0x2880  }
0x97: {  	[spmem:s2] =	stream.indirect.scatter [tilespmem:s21], [sflag:$0x1], $0x1, s20, s10, $0xb8;
	[tilespmem:$0x4580] =	vst v63  }
0x98: {  	s22 =	simm.s32 $0x1900;
	s23 =	simm.s32 $0x2900  }
0x99: {  	[spmem:s2] =	stream.indirect.scatter [tilespmem:s23], [sflag:$0x1], $0x1, s22, s10, $0xb8;
	[tilespmem:$0x4580] =	vst v63  }
0x9a: {  	s14 =	simm.s32 $0x1980;
	s15 =	simm.s32 $0x2980  }
0x9b: {  	[spmem:s2] =	stream.indirect.scatter [tilespmem:s15], [sflag:$0x1], $0x1, s14, s10, $0xb8;
	[tilespmem:$0x4580] =	vst v63  }
0x9c: {  	s16 =	simm.s32 $0x1A00;
	s17 =	simm.s32 $0x2A00  }
0x9d: {  	[spmem:s2] =	stream.indirect.scatter [tilespmem:s17], [sflag:$0x1], $0x1, s16, s10, $0xb8;
	[tilespmem:$0x4580] =	vst v63  }
0x9e: {  	s18 =	simm.s32 $0x1A80;
	s19 =	simm.s32 $0x2A80  }
0x9f: {  	[spmem:s2] =	stream.indirect.scatter [tilespmem:s19], [sflag:$0x1], $0x1, s18, s10, $0xb8;
	[tilespmem:$0x4580] =	vst v63  }
0xa0: {  	s20 =	simm.s32 $0x1B00;
	s21 =	simm.s32 $0x2B00  }
0xa1: {  	[spmem:s2] =	stream.indirect.scatter [tilespmem:s21], [sflag:$0x1], $0x1, s20, s10, $0xb8;
	[tilespmem:$0x4580] =	vst v63  }
0xa2: {  	s22 =	simm.s32 $0x1B80;
	s23 =	simm.s32 $0x2B80  }
0xa3: {  	[spmem:s2] =	stream.indirect.scatter [tilespmem:s23], [sflag:$0x1], $0x1, s22, s10, $0xb8;
	[tilespmem:$0x4580] =	vst v63  }
0xa4: {  	s15 =	simm.s32 $0x1C00;
	s16 =	simm.s32 $0x2C00  }
0xa5: {  	[spmem:s2] =	stream.indirect.scatter [tilespmem:s16], [sflag:$0x1], $0x1, s15, s10, $0xb8;
	[tilespmem:$0x4580] =	vst v63  }
0xa6: {  	s17 =	simm.s32 $0x1C80;
	s18 =	simm.s32 $0x2C80  }
0xa7: {  	[spmem:s2] =	stream.indirect.scatter [tilespmem:s18], [sflag:$0x1], $0x1, s17, s10, $0xb8;
	[tilespmem:$0x4580] =	vst v63  }
0xa8: {  	s19 =	simm.s32 $0x1D00;
	s20 =	simm.s32 $0x2D00  }
0xa9: {  	[spmem:s2] =	stream.indirect.scatter [tilespmem:s20], [sflag:$0x1], $0x1, s19, s10, $0xb8;
	[tilespmem:$0x4580] =	vst v63  }
0xaa: {  	s21 =	simm.s32 $0x1D80;
	s22 =	simm.s32 $0x2D80  }
0xab: {  	[spmem:s2] =	stream.indirect.scatter [tilespmem:s22], [sflag:$0x1], $0x1, s21, s10, $0xb8;
	[tilespmem:$0x4580] =	vst v63  }
0xac: {  	s23 =	simm.s32 $0x1E00  }
0xad: {  	[spmem:s2] =	stream.indirect.scatter [tilespmem:s24], [sflag:$0x1], $0x1, s23, s10, $0xb8;
	[tilespmem:$0x4580] =	vst v63  }
0xae: {  	_ = 	snop  }
0xaf: {  	[spmem:s2] =	stream.indirect.scatter [tilespmem:s26], [sflag:$0x1], $0x1, s25, s10, $0xb8;
	[tilespmem:$0x4580] =	vst v63  }
0xb0: {  	_ = 	snop  }
0xb1: {  	[spmem:s2] =	stream.indirect.scatter [tilespmem:s29], [sflag:$0x1], $0x1, s28, s10, $0xb8;
	[tilespmem:$0x4580] =	vst v63  }
0xb2: {  	_ = 	snop  }
0xb3: {  	[spmem:s2] =	stream.indirect.scatter [tilespmem:s31], [sflag:$0x1], $0x1, s30, s10, $0xb8;
	[tilespmem:$0x4580] =	vst v63  }
0xb4: {  	_ =	swait.ge [sflag:s0], $0x80  }
0xb5: {  	[sflag:s0] =	ssyncset.done $0x0  }
0xb6: {  	[sflag:s0] =	ssyncadd.s32 $0xFFFFFF80  }
0xb7: {  	_ =	swait.ge [sflag:s0], $0x80  }
0xb8: {  	[sflag:s0] =	ssyncset.done $0x0  }
0xb9: {  	[sflag:s0] =	ssyncadd.s32 $0xFFFFFF80  }
0xba: {  	_ =	swait.ge [sflag:s0], $0x80  }
0xbb: {  	[sflag:s0] =	ssyncset.done $0x0  }
0xbc: {  	[sflag:s0] =	ssyncadd.s32 $0xFFFFFF80  }
0xbd: {  	_ =	swait.ge [sflag:s0], $0x80  }
0xbe: {  	[sflag:s0] =	ssyncset.done $0x0  }
0xbf: {  	[sflag:s0] =	ssyncadd.s32 $0xFFFFFF80  }
0xc0: {  	_ =	swait.ge [sflag:s0], $0x80  }
0xc1: {  	[sflag:s0] =	ssyncset.done $0x0  }
0xc2: {  	[sflag:s0] =	ssyncadd.s32 $0xFFFFFF80  }
0xc3: {  	_ =	swait.ge [sflag:s0], $0x80  }
0xc4: {  	[sflag:s0] =	ssyncset.done $0x0  }
0xc5: {  	[sflag:s0] =	ssyncadd.s32 $0xFFFFFF80  }
0xc6: {  	_ =	swait.ge [sflag:s0], $0x80  }
0xc7: {  	[sflag:s0] =	ssyncset.done $0x0  }
0xc8: {  	[sflag:s0] =	ssyncadd.s32 $0xFFFFFF80  }
0xc9: {  	_ =	swait.ge [sflag:s0], $0x80  }
0xca: {  	[sflag:s0] =	ssyncset.done $0x0  }
0xcb: {  	[sflag:s0] =	ssyncadd.s32 $0xFFFFFF80  }
0xcc: {  	_ =	swait.ge [sflag:s0], $0x80  }
0xcd: {  	[sflag:s0] =	ssyncset.done $0x0  }
0xce: {  	[sflag:s0] =	ssyncadd.s32 $0xFFFFFF80  }
0xcf: {  	_ =	swait.ge [sflag:s0], $0x80  }
0xd0: {  	[sflag:s0] =	ssyncset.done $0x0  }
0xd1: {  	[sflag:s0] =	ssyncadd.s32 $0xFFFFFF80  }
0xd2: {  	_ =	swait.ge [sflag:s0], $0x80  }
0xd3: {  	[sflag:s0] =	ssyncset.done $0x0  }
0xd4: {  	[sflag:s0] =	ssyncadd.s32 $0xFFFFFF80  }
0xd5: {  	_ =	swait.ge [sflag:s0], $0x80  }
0xd6: {  	[sflag:s0] =	ssyncset.done $0x0  }
0xd7: {  	[sflag:s0] =	ssyncadd.s32 $0xFFFFFF80  }
0xd8: {  	_ =	swait.ge [sflag:s0], $0x80  }
0xd9: {  	[sflag:s0] =	ssyncset.done $0x0  }
0xda: {  	[sflag:s0] =	ssyncadd.s32 $0xFFFFFF80  }
0xdb: {  	_ =	swait.ge [sflag:s0], $0x80  }
0xdc: {  	[sflag:s0] =	ssyncset.done $0x0  }
0xdd: {  	[sflag:s0] =	ssyncadd.s32 $0xFFFFFF80  }
0xde: {  	_ =	swait.ge [sflag:s0], $0x80  }
0xdf: {  	[sflag:s0] =	ssyncset.done $0x0  }
0xe0: {  	[sflag:s0] =	ssyncadd.s32 $0xFFFFFF80  }
0xe1: {  	_ =	swait.ge [sflag:s0], $0x80  }
0xe2: {  	[sflag:s0] =	ssyncset.done $0x0  }
0xe3: {  	[sflag:s0] =	ssyncadd.s32 $0xFFFFFF80  }
0xe4: {  	_ =	swait.ge [sflag:s0], $0x80  }
0xe5: {  	[sflag:s0] =	ssyncset.done $0x0  }
0xe6: {  	[sflag:s0] =	ssyncadd.s32 $0xFFFFFF80  }
0xe7: {  	_ =	swait.ge [sflag:s0], $0x80  }
0xe8: {  	[sflag:s0] =	ssyncset.done $0x0  }
0xe9: {  	[sflag:s0] =	ssyncadd.s32 $0xFFFFFF80  }
0xea: {  	_ =	swait.ge [sflag:s0], $0x80  }
0xeb: {  	[sflag:s0] =	ssyncset.done $0x0  }
0xec: {  	[sflag:s0] =	ssyncadd.s32 $0xFFFFFF80  }
0xed: {  	_ =	swait.ge [sflag:s0], $0x80  }
0xee: {  	[sflag:s0] =	ssyncset.done $0x0  }
0xef: {  	[sflag:s0] =	ssyncadd.s32 $0xFFFFFF80  }
0xf0: {  	_ =	swait.ge [sflag:s0], $0x80  }
0xf1: {  	[sflag:s0] =	ssyncset.done $0x0  }
0xf2: {  	[sflag:s0] =	ssyncadd.s32 $0xFFFFFF80  }
0xf3: {  	_ =	swait.ge [sflag:s0], $0x80  }
0xf4: {  	[sflag:s0] =	ssyncset.done $0x0  }
0xf5: {  	[sflag:s0] =	ssyncadd.s32 $0xFFFFFF80  }
0xf6: {  	_ =	swait.ge [sflag:s0], $0x80  }
0xf7: {  	[sflag:s0] =	ssyncset.done $0x0  }
0xf8: {  	[sflag:s0] =	ssyncadd.s32 $0xFFFFFF80  }
0xf9: {  	_ =	swait.ge [sflag:s0], $0x80  }
0xfa: {  	[sflag:s0] =	ssyncset.done $0x0  }
0xfb: {  	[sflag:s0] =	ssyncadd.s32 $0xFFFFFF80  }
0xfc: {  	_ =	swait.ge [sflag:s0], $0x80  }
0xfd: {  	[sflag:s0] =	ssyncset.done $0x0  }
0xfe: {  	[sflag:s0] =	ssyncadd.s32 $0xFFFFFF80  }
0xff: {  	_ =	swait.ge [sflag:s0], $0x80  }
0x100: {  	[sflag:s0] =	ssyncset.done $0x0  }
0x101: {  	[sflag:s0] =	ssyncadd.s32 $0xFFFFFF80  }
0x102: {  	_ =	swait.ge [sflag:s0], $0x80  }
0x103: {  	[sflag:s0] =	ssyncset.done $0x0  }
0x104: {  	[sflag:s0] =	ssyncadd.s32 $0xFFFFFF80  }
0x105: {  	_ =	swait.ge [sflag:s0], $0x80  }
0x106: {  	[sflag:s0] =	ssyncset.done $0x0  }
0x107: {  	[sflag:s0] =	ssyncadd.s32 $0xFFFFFF80  }
0x108: {  	_ =	swait.ge [sflag:s0], $0x80  }
0x109: {  	[sflag:s0] =	ssyncset.done $0x0  }
0x10a: {  	[sflag:s0] =	ssyncadd.s32 $0xFFFFFF80  }
0x10b: {  	_ =	swait.ge [sflag:s0], $0x80  }
0x10c: {  	[sflag:s0] =	ssyncset.done $0x0  }
0x10d: {  	[sflag:s0] =	ssyncadd.s32 $0xFFFFFF80  }
0x10e: {  	_ =	swait.ge [sflag:s0], $0x80  }
0x10f: {  	[sflag:s0] =	ssyncset.done $0x0  }
0x110: {  	[sflag:s0] =	ssyncadd.s32 $0xFFFFFF80  }
0x111: {  	_ =	swait.ge [sflag:s0], $0x80  }
0x112: {  	[sflag:s0] =	ssyncset.done $0x0  }
0x113: {  	[sflag:s0] =	ssyncadd.s32 $0xFFFFFF80  }
0x114: {  	[bflag:$0x0] =	sbarrier.arrive $0xFFFF  }
0x115: {  	[tilespmem:s1], [sflag:$0x2] =	stream.linear.gather [spmem:s2], $0x10, $0x38;
	[tilespmem:$0x4580] =	vst v63  }
0x116: {  	_ =	swait.ge [sflag:s9], $0x10  }
0x117: {  	[sflag:s9] =	ssyncset.done $0x0  }
0x118: {  	[sflag:s9] =	ssyncadd.s32 $0xFFFFFFF0  }
0x119: {  	v1 =	vld.msk [tilespmem:$0x3500 ss:$0x0], $0xffff;
	_ =	sdelay $0x4  }
0x11a: {  	[tilespmem:$0x3000] =	vst v1  }
0x11b: {  	[tilespmem:$0x3010] =	vst v1  }
0x11c: {  	[tilespmem:$0x3020] =	vst v1  }
0x11d: {  	[tilespmem:$0x3030] =	vst v1  }
0x11e: {  	[tilespmem:$0x3040] =	vst v1  }
0x11f: {  	[tilespmem:$0x3050] =	vst v1  }
0x120: {  	[tilespmem:$0x3060] =	vst v1  }
0x121: {  	[tilespmem:$0x3070] =	vst v1  }
0x122: {  	[tilespmem:$0x3080] =	vst v1  }
0x123: {  	[tilespmem:$0x3090] =	vst v1  }
0x124: {  	[tilespmem:$0x30A0] =	vst v1  }
0x125: {  	[tilespmem:$0x30B0] =	vst v1  }
0x126: {  	[tilespmem:$0x30C0] =	vst v1  }
0x127: {  	[tilespmem:$0x30D0] =	vst v1  }
0x128: {  	[tilespmem:$0x30E0] =	vst v1  }
0x129: {  	[tilespmem:$0x30F0] =	vst v1  }
0x12a: {  	[tilespmem:$0x3100] =	vst v1  }
0x12b: {  	[tilespmem:$0x3110] =	vst v1  }
0x12c: {  	[tilespmem:$0x3120] =	vst v1  }
0x12d: {  	[tilespmem:$0x3130] =	vst v1  }
0x12e: {  	[tilespmem:$0x3140] =	vst v1  }
0x12f: {  	[tilespmem:$0x3150] =	vst v1  }
0x130: {  	[tilespmem:$0x3160] =	vst v1  }
0x131: {  	[tilespmem:$0x3170] =	vst v1  }
0x132: {  	[tilespmem:$0x3180] =	vst v1  }
0x133: {  	[tilespmem:$0x3190] =	vst v1  }
0x134: {  	[tilespmem:$0x31A0] =	vst v1  }
0x135: {  	[tilespmem:$0x31B0] =	vst v1  }
0x136: {  	[tilespmem:$0x31C0] =	vst v1  }
0x137: {  	[tilespmem:$0x31D0] =	vst v1  }
0x138: {  	[tilespmem:$0x31E0] =	vst v1  }
0x139: {  	[tilespmem:$0x31F0] =	vst v1  }
0x13a: {  	[tilespmem:$0x3200] =	vst v1  }
0x13b: {  	[tilespmem:$0x3210] =	vst v1  }
0x13c: {  	[tilespmem:$0x3220] =	vst v1  }
0x13d: {  	[tilespmem:$0x3230] =	vst v1  }
0x13e: {  	[tilespmem:$0x3240] =	vst v1  }
0x13f: {  	[tilespmem:$0x3250] =	vst v1  }
0x140: {  	[tilespmem:$0x3260] =	vst v1  }
0x141: {  	[tilespmem:$0x3270] =	vst v1  }
0x142: {  	[tilespmem:$0x3280] =	vst v1  }
0x143: {  	[tilespmem:$0x3290] =	vst v1  }
0x144: {  	[tilespmem:$0x32A0] =	vst v1  }
0x145: {  	[tilespmem:$0x32B0] =	vst v1  }
0x146: {  	[tilespmem:$0x32C0] =	vst v1  }
0x147: {  	[tilespmem:$0x32D0] =	vst v1  }
0x148: {  	[tilespmem:$0x32E0] =	vst v1  }
0x149: {  	[tilespmem:$0x32F0] =	vst v1  }
0x14a: {  	[tilespmem:$0x3300] =	vst v1  }
0x14b: {  	[tilespmem:$0x3310] =	vst v1  }
0x14c: {  	[tilespmem:$0x3320] =	vst v1  }
0x14d: {  	[tilespmem:$0x3330] =	vst v1  }
0x14e: {  	[tilespmem:$0x3340] =	vst v1  }
0x14f: {  	[tilespmem:$0x3350] =	vst v1  }
0x150: {  	[tilespmem:$0x3360] =	vst v1  }
0x151: {  	[tilespmem:$0x3370] =	vst v1  }
0x152: {  	[tilespmem:$0x3380] =	vst v1  }
0x153: {  	[tilespmem:$0x3390] =	vst v1  }
0x154: {  	[tilespmem:$0x33A0] =	vst v1  }
0x155: {  	[tilespmem:$0x33B0] =	vst v1  }
0x156: {  	[tilespmem:$0x33C0] =	vst v1  }
0x157: {  	[tilespmem:$0x33D0] =	vst v1  }
0x158: {  	[tilespmem:$0x33E0] =	vst v1  }
0x159: {  	s13 =	simm.s32 @!p0 $0x0;
	s14 =	simm.s32 @!p0 $0x3400;
	[tilespmem:$0x33F0] =	vst v1  }
0x15a: {  	[tilespmem:s14], [sflag:$0x2] =	stream.linear.gather @!p0 [hbm4b:s6+s13], $0x10, $0x38;
	[tilespmem:$0x4580] =	vst v63  }
0x15b: {  	s13 =	simm.s32 @!p0 $0x2  }
0x15c: {  	_ =	swait.ge @!p0 [sflag:s13], $0x10  }
0x15d: {  	[sflag:s13] =	ssyncset.done @!p0 $0x0  }
0x15e: {  	s15 =	simm.s32 @!p0 $0x3480;
	[sflag:s13] =	ssyncadd.s32 @!p0 $0xFFFFFFF0;
	s13 =	simm.s32 @!p0 $0x10  }
0x15f: {  	[tilespmem:s15], [sflag:$0x1] =	stream.indirect.gather @!p0 [spmem:s2], $0x1, s14, s13, $0xb8;
	[tilespmem:$0x4580] =	vst v63  }
0x160: {  	s13 =	simm.s32 @!p0 $0x1  }
0x161: {  	_ =	swait.ge @!p0 [sflag:s13], $0x10  }
0x162: {  	[sflag:s13] =	ssyncset.done @!p0 $0x0  }
0x163: {  	[sflag:s13] =	ssyncadd.s32 @!p0 $0xFFFFFFF0  }
0x164: {  	v1 =	vld @!p0 [tilespmem:$0x3480];
	_ =	sdelay $0x2  }
0x165: {  	s12 =	sadd.s32 $0x1, s12  }
0x166: {  	p1 =	sne.s32 s12, s8  }
.Ltmp1:
0x167: {  	[tilespmem:$0x3000] =	vst @!p0 v1;
	(pc) =	sbr.rel @p1 .LBB2_1-.Ltmp1, $4  }
0x168: {  	[hbm4b:s7+s3] =	stream.linear.scatter [tilespmem:s11], [sflag:$0x2], $0x400, $0x38;
	[tilespmem:$0x4580] =	vst v63  }
0x169: {  	_ =	swait.ge [sflag:s9], $0x400  }
0x16a: {  	[sflag:s9] =	ssyncset.done $0x0  }
0x16b: {  	[sflag:s9] =	ssyncadd.s32 $0xFFFFFC00  }
0x16c: {  	_ =	sfence.sel $0x180000  }
0x16d: {  	[bflag:$0x0] =	sbarrier.arrive $0xFFFF  }
0x16e: {  	_ =	strace $0x90000047  }
0x16f: {  	s0 =	stileid.u32;
	[bflag:$0x2] =	sbarrier.arrive $0xFFFF  }
0x170: {  	p0 =	sne.s32 s0, $0x0;
	s0 =	rddreg [dreg:$0x3]  }
0x171: {  	s0 =	sadd.s32 @!p0 $0x100000, s0  }
0x172: {  	[sflag:s0] =	ssyncadd.tile.s32 @!p0 $0x1;
	_ =	shalt  }
.Lfunc_end2:
_tile_overlayer_lowered:
.L_overlay_start_2:
0x173: {  	(tag) =	ssettag $0x2  }
0x174: {  	s0 =	rddreg [dreg:$0x0];
	s2 =	stileid.u32  }
0x175: {  	s1 =	rddreg [dreg:$0x1];
	p0 =	sne.s32 s2, $0x0  }
0x176: {  	s3 =	rddreg [dreg:$0x2];
	[bflag:$0x3] =	sbarrier.arrive $0xFFFF;
	s2 =	simm.s32 @!p0 $0x1C02  }
0x177: {  	[timem:s3], [sflag:s2] =	dma.local @!p0 [hbm:s0], s1  }
0x178: {  	s0 =	simm.s32 @!p0 $0x2  }
0x179: {  	_ =	swait.ge @!p0 [sflag:s0], s1  }
0x17a: {  	s1 =	ssub.s32 @!p0 $0x0, s1;
	[sflag:s0] =	ssyncset.done @!p0 $0x0  }
0x17b: {  	[sflag:s0] =	ssyncadd.s32 @!p0 s1  }
0x17c: {  	[bflag:$0x3] =	sbarrier.arrive $0xFFFF  }
0x17d: {  	_ =	shalt  }

</sc_bundles>
